<compile_context>
chip_gen: v7x
topology: tpu7x:2x2x1
jax: 0.10.2.dev20260603
libtpu: 0.0.44.dev20260713+nightly
codegen_flags: <defaults>
</compile_context>

<pallas_src>
import functools

import jax
import jax.numpy as jnp
from jax import lax
from jax.experimental import pallas as pl
from jax.experimental.pallas import tpu as pltpu
from jax.experimental.pallas import tpu_sc as plsc

_NC = 2
_NS = 16
_NW = _NC * _NS
_CB = 128
_K = 2
_SB = _K * _CB
_L = 16


@functools.lru_cache(maxsize=None)
def _gather_call(t_dim, b_dim, d):
    sc_per_t = b_dim // _SB
    sc_total = t_dim * sc_per_t
    sc_per_w = sc_total // _NW
    pairs = sc_per_w // 2
    mesh = plsc.VectorSubcoreMesh(core_axis_name="c", subcore_axis_name="s")

    @functools.partial(
        pl.kernel,
        mesh=mesh,
        out_type=jax.ShapeDtypeStruct((t_dim, d, b_dim), jnp.float32),
        compiler_params=pltpu.CompilerParams(
            use_tc_tiling_on_sc=False, needs_layout_passes=False),
        scratch_types=[
            pltpu.VMEM((sc_per_w * _K, _CB), jnp.int32),
            pltpu.VMEM((_SB, d), jnp.float32),
            pltpu.VMEM((_SB, d), jnp.float32),
            pltpu.VMEM((d, _SB + 1), jnp.float32),
            pltpu.VMEM((d, _SB + 1), jnp.float32),
            pltpu.SemaphoreType.DMA,
            pltpu.SemaphoreType.DMA,
            pltpu.SemaphoreType.DMA,
            pltpu.SemaphoreType.DMA,
        ],
    )
    def k(idx_hbm, table_hbm, out_hbm, idx_v, rows0, rows1, tb0, tb1,
          gsem0, gsem1, ssem0, ssem1):
        wid = lax.axis_index("s") * _NC + lax.axis_index("c")
        c0 = wid * sc_per_w * _K
        pltpu.sync_copy(idx_hbm.at[pl.ds(c0, sc_per_w * _K)], idx_v)
        rows = (rows0, rows1)
        tbs = (tb0, tb1)
        gsems = (gsem0, gsem1)
        ssems = (ssem0, ssem1)
        col_ids = [lax.iota(jnp.int32, _L) + (_L * g) for g in range(d // _L)]

        def out_slice(u):
            ug = c0 // _K + u
            t = ug // sc_per_t
            sb = lax.rem(ug, sc_per_t)
            return out_hbm.at[t, :, pl.ds(sb * _SB, _SB)]

        def fire_gathers(b, u):
            for kk in range(_K):
                pltpu.async_copy(
                    table_hbm.at[idx_v.at[u * _K + kk]],
                    rows[b].at[pl.ds(kk * _CB, _CB)],
                    gsems[b])

        def wait_gathers(b, u):
            pltpu.make_async_copy(
                table_hbm.at[pl.ds(0, _SB)], rows[b], gsems[b]).wait()

        def transpose(b):
            src, dst = rows[b], tbs[b]

            @plsc.parallel_loop(0, _SB, unroll=4)
            def rowfn(r):
                r_ids = jnp.full((_L,), r, jnp.int32)
                for g in range(d // _L):
                    v = src[r, pl.ds(_L * g, _L)]
                    plsc.store_scatter(dst, [col_ids[g], r_ids], v)

        def fire_store(b, u):
            pltpu.make_async_copy(
                tbs[b].at[:, pl.ds(0, _SB)], out_slice(u), ssems[b]).start()

        def wait_store(b, u):
            pltpu.make_async_copy(
                tbs[b].at[:, pl.ds(0, _SB)], out_slice(u), ssems[b]).wait()

        fire_gathers(0, 0)
        fire_gathers(1, 1)

        def body(p, carry):
            for b in range(2):
                u = 2 * p + b
                wait_gathers(b, u)

                @pl.when(p > 0)
                def _():
                    wait_store(b, u)

                transpose(b)
                fire_store(b, u)

                @pl.when(u + 2 < sc_per_w)
                def _():
                    fire_gathers(b, u + 2)

            return carry

        lax.fori_loop(0, pairs, body, 0)
        wait_store(0, sc_per_w - 2)
        wait_store(1, sc_per_w - 1)

    return k


def kernel(input, embedding_weight):
    b, h = input.shape
    v, d = embedding_weight.shape
    idx2d = input.T.reshape((b * h) // _CB, _CB)
    out3 = _gather_call(h, b, d)(idx2d, embedding_weight)
    return out3.transpose(2, 0, 1)

# --- scband reference (transcript-rebuilt; emitter-appended) ---
"""Pipeline reference for scband-casted-embedding-36481452213059 (READ-ONLY COPY).

The authoritative reference and input builder live on the scoring server;
editing this copy changes nothing except your own understanding.
"""

import jax, jax.numpy as jnp
import numpy as np

NUM_EMBEDDINGS = 1000000
EMBEDDING_DIM = 64
INIT_STD = 0.02
BATCH = 16384
HIST_LEN = 50


def setup_inputs(seed: int = 0) -> dict:
    key = jax.random.key(seed)
    k_idx, k_w = jax.random.split(key)
    input = jax.random.randint(k_idx, (BATCH, HIST_LEN), 0, NUM_EMBEDDINGS, dtype=jnp.int64 if jax.config.jax_enable_x64 else jnp.int32)
    # trunc_normal init approximated with clipped normal (same math up to truncation tails)
    w = jax.random.truncated_normal(k_w, -2.0, 2.0, (NUM_EMBEDDINGS, EMBEDDING_DIM), dtype=jnp.float32) * INIT_STD
    return {"input": input, "embedding_weight": w}


def reference(input, embedding_weight):
    # F.embedding(input, weight) -> gather rows of weight by input indices
    return jnp.take(embedding_weight, input, axis=0)

if __name__ == "__main__":
    import jax
    _d = setup_inputs()
    print(jax.jit(kernel)(*tuple(_d.values())))

</pallas_src>

<mosaic_0001>
#map = affine_map<(d0, d1) -> (0, 0)>
#map1 = affine_map<(d0, d1) -> (0, 0, 0)>
module attributes {stable_mosaic.version = 14 : i64} {
  func.func @k(%arg0: i32, %arg1: i32, %arg2: memref<6400x128xi32, #tpu.memory_space<hbm>>, %arg3: memref<1000000x64xf32, #tpu.memory_space<hbm>>, %arg4: memref<50x64x16384xf32, #tpu.memory_space<hbm>>, %arg5: memref<200x128xi32, #tpu.memory_space<vmem>>, %arg6: memref<256x64xf32, #tpu.memory_space<vmem>>, %arg7: memref<256x64xf32, #tpu.memory_space<vmem>>, %arg8: memref<64x257xf32, #tpu.memory_space<vmem>>, %arg9: memref<64x257xf32, #tpu.memory_space<vmem>>, %arg10: memref<!tpu.dma_semaphore, #tpu.memory_space<semaphore_mem>>, %arg11: memref<!tpu.dma_semaphore, #tpu.memory_space<semaphore_mem>>, %arg12: memref<!tpu.dma_semaphore, #tpu.memory_space<semaphore_mem>>, %arg13: memref<!tpu.dma_semaphore, #tpu.memory_space<semaphore_mem>>) attributes {dimension_semantics = [#tpu.dimension_semantics<core_parallel>, #tpu.dimension_semantics<subcore_parallel>], iteration_bounds = array<i64: 2, 16>, scalar_prefetch = 0 : i64, scratch_operands = 9 : i64, tpu.core_type = #tpu.core_type<sc_vector_subcore>, window_params = [{transform_indices = #map}, {transform_indices = #map}, {transform_indices = #map1}]} {
    %mul3A = arith.constant 2 : i32
    %mul3A_0 = arith.muli %arg1, %mul3A : i32
    %add3A = arith.addi %mul3A_0, %arg0 : i32
    %mul3A_1 = arith.constant 100 : i32
    %mul3A_2 = arith.muli %add3A, %mul3A_1 : i32
    %mul3A_3 = arith.constant 2 : i32
    %mul3A_4 = arith.muli %mul3A_2, %mul3A_3 : i32
    "tpu.region"() ({
      %run_scoped3A = tpu.sem_alloc : memref<!tpu.dma_semaphore, #tpu.memory_space<semaphore_mem>>
      %dma_start3A_187 = arith.constant 0 : i32
      %dma_start3A_188 = tpu.memref_slice %arg2[%mul3A_4, %dma_start3A_187] : memref<6400x128xi32, #tpu.memory_space<hbm>> -> memref<200x128xi32, #tpu.memory_space<hbm>>
      %dma_start3A_189 = arith.constant 0 : i32
      %dma_start3A_190 = tpu.memref_slice %arg2[%mul3A_4, %dma_start3A_189] : memref<6400x128xi32, #tpu.memory_space<hbm>> -> memref<200x128xi32, #tpu.memory_space<hbm>>
      tpu.enqueue_dma source(%dma_start3A_190 : memref<200x128xi32, #tpu.memory_space<hbm>>) target(%arg5 : memref<200x128xi32, #tpu.memory_space<vmem>>) target_semaphore(%run_scoped3A : memref<!tpu.dma_semaphore, #tpu.memory_space<semaphore_mem>>)
      %dma_wait3A_191 = arith.constant 0 : i32
      %dma_wait3A_192 = tpu.memref_slice %arg2[%mul3A_4, %dma_wait3A_191] : memref<6400x128xi32, #tpu.memory_space<hbm>> -> memref<200x128xi32, #tpu.memory_space<hbm>>
      %dma_wait3A_193 = arith.constant 0 : i32
      %dma_wait3A_194 = tpu.memref_slice %arg2[%mul3A_4, %dma_wait3A_193] : memref<6400x128xi32, #tpu.memory_space<hbm>> -> memref<200x128xi32, #tpu.memory_space<hbm>>
      tpu.wait_dma2 semaphore(%run_scoped3A : memref<!tpu.dma_semaphore, #tpu.memory_space<semaphore_mem>>) src(%dma_wait3A_194 : memref<200x128xi32, #tpu.memory_space<hbm>>) dst(%arg5 : memref<200x128xi32, #tpu.memory_space<vmem>>)
      tpu.yield
    }) : () -> ()
    %iota3A = tpu.iota {dimensions = array<i32: 0>} : vector<16xi32>
    %add3A_5 = arith.constant 0 : i32
    %add3A_6 = vector.broadcast %add3A_5 : i32 to vector<16xi32>
    %add3A_7 = arith.addi %iota3A, %add3A_6 : vector<16xi32>
    %iota3A_8 = tpu.iota {dimensions = array<i32: 0>} : vector<16xi32>
    %add3A_9 = arith.constant 16 : i32
    %add3A_10 = vector.broadcast %add3A_9 : i32 to vector<16xi32>
    %add3A_11 = arith.addi %iota3A_8, %add3A_10 : vector<16xi32>
    %iota3A_12 = tpu.iota {dimensions = array<i32: 0>} : vector<16xi32>
    %add3A_13 = arith.constant 32 : i32
    %add3A_14 = vector.broadcast %add3A_13 : i32 to vector<16xi32>
    %add3A_15 = arith.addi %iota3A_12, %add3A_14 : vector<16xi32>
    %iota3A_16 = tpu.iota {dimensions = array<i32: 0>} : vector<16xi32>
    %add3A_17 = arith.constant 48 : i32
    %add3A_18 = vector.broadcast %add3A_17 : i32 to vector<16xi32>
    %add3A_19 = arith.addi %iota3A_16, %add3A_18 : vector<16xi32>
    %dma_start3A = arith.constant 0 : i32
    %dma_start3A_20 = arith.constant 0 : i32
    %dma_start3A_21 = arith.constant 0 : i32
    %dma_start3A_22 = tpu.memref_slice %arg6[%dma_start3A_20, %dma_start3A_21] : memref<256x64xf32, #tpu.memory_space<vmem>> -> memref<128x64xf32, #tpu.memory_space<vmem>>
    %dma_start3A_23 = arith.constant 0 : i32
    %dma_start3A_24 = tpu.memref_slice %arg5[%dma_start3A, %dma_start3A_23] : memref<200x128xi32, #tpu.memory_space<vmem>> -> memref<1x128xi32, #tpu.memory_space<vmem>>
    %dma_start3A_25 = tpu.memref_squeeze %dma_start3A_24 : memref<1x128xi32, #tpu.memory_space<vmem>> -> memref<128xi32, #tpu.memory_space<vmem>>
    %dma_start3A_26 = arith.constant 0 : i32
    %dma_start3A_27 = arith.constant 0 : i32
    %dma_start3A_28 = tpu.memref_slice %arg3[%dma_start3A_26, %dma_start3A_27] : memref<1000000x64xf32, #tpu.memory_space<hbm>> -> memref<1000000x64xf32, #tpu.memory_space<hbm>>
    tpu.enqueue_indirect_dma source(%dma_start3A_28 : memref<1000000x64xf32, #tpu.memory_space<hbm>>) target(%dma_start3A_22 : memref<128x64xf32, #tpu.memory_space<vmem>>) offsets(%dma_start3A_25 : memref<128xi32, #tpu.memory_space<vmem>>) semaphore(%arg10 : memref<!tpu.dma_semaphore, #tpu.memory_space<semaphore_mem>>)
    %dma_start3A_29 = arith.constant 1 : i32
    %dma_start3A_30 = arith.constant 128 : i32
    %dma_start3A_31 = arith.constant 0 : i32
    %dma_start3A_32 = tpu.memref_slice %arg6[%dma_start3A_30, %dma_start3A_31] : memref<256x64xf32, #tpu.memory_space<vmem>> -> memref<128x64xf32, #tpu.memory_space<vmem>>
    %dma_start3A_33 = arith.constant 0 : i32
    %dma_start3A_34 = tpu.memref_slice %arg5[%dma_start3A_29, %dma_start3A_33] : memref<200x128xi32, #tpu.memory_space<vmem>> -> memref<1x128xi32, #tpu.memory_space<vmem>>
    %dma_start3A_35 = tpu.memref_squeeze %dma_start3A_34 : memref<1x128xi32, #tpu.memory_space<vmem>> -> memref<128xi32, #tpu.memory_space<vmem>>
    %dma_start3A_36 = arith.constant 0 : i32
    %dma_start3A_37 = arith.constant 0 : i32
    %dma_start3A_38 = tpu.memref_slice %arg3[%dma_start3A_36, %dma_start3A_37] : memref<1000000x64xf32, #tpu.memory_space<hbm>> -> memref<1000000x64xf32, #tpu.memory_space<hbm>>
    tpu.enqueue_indirect_dma source(%dma_start3A_38 : memref<1000000x64xf32, #tpu.memory_space<hbm>>) target(%dma_start3A_32 : memref<128x64xf32, #tpu.memory_space<vmem>>) offsets(%dma_start3A_35 : memref<128xi32, #tpu.memory_space<vmem>>) semaphore(%arg10 : memref<!tpu.dma_semaphore, #tpu.memory_space<semaphore_mem>>)
    %dma_start3A_39 = arith.constant 2 : i32
    %dma_start3A_40 = arith.constant 0 : i32
    %dma_start3A_41 = arith.constant 0 : i32
    %dma_start3A_42 = tpu.memref_slice %arg7[%dma_start3A_40, %dma_start3A_41] : memref<256x64xf32, #tpu.memory_space<vmem>> -> memref<128x64xf32, #tpu.memory_space<vmem>>
    %dma_start3A_43 = arith.constant 0 : i32
    %dma_start3A_44 = tpu.memref_slice %arg5[%dma_start3A_39, %dma_start3A_43] : memref<200x128xi32, #tpu.memory_space<vmem>> -> memref<1x128xi32, #tpu.memory_space<vmem>>
    %dma_start3A_45 = tpu.memref_squeeze %dma_start3A_44 : memref<1x128xi32, #tpu.memory_space<vmem>> -> memref<128xi32, #tpu.memory_space<vmem>>
    %dma_start3A_46 = arith.constant 0 : i32
    %dma_start3A_47 = arith.constant 0 : i32
    %dma_start3A_48 = tpu.memref_slice %arg3[%dma_start3A_46, %dma_start3A_47] : memref<1000000x64xf32, #tpu.memory_space<hbm>> -> memref<1000000x64xf32, #tpu.memory_space<hbm>>
    tpu.enqueue_indirect_dma source(%dma_start3A_48 : memref<1000000x64xf32, #tpu.memory_space<hbm>>) target(%dma_start3A_42 : memref<128x64xf32, #tpu.memory_space<vmem>>) offsets(%dma_start3A_45 : memref<128xi32, #tpu.memory_space<vmem>>) semaphore(%arg11 : memref<!tpu.dma_semaphore, #tpu.memory_space<semaphore_mem>>)
    %dma_start3A_49 = arith.constant 3 : i32
    %dma_start3A_50 = arith.constant 128 : i32
    %dma_start3A_51 = arith.constant 0 : i32
    %dma_start3A_52 = tpu.memref_slice %arg7[%dma_start3A_50, %dma_start3A_51] : memref<256x64xf32, #tpu.memory_space<vmem>> -> memref<128x64xf32, #tpu.memory_space<vmem>>
    %dma_start3A_53 = arith.constant 0 : i32
    %dma_start3A_54 = tpu.memref_slice %arg5[%dma_start3A_49, %dma_start3A_53] : memref<200x128xi32, #tpu.memory_space<vmem>> -> memref<1x128xi32, #tpu.memory_space<vmem>>
    %dma_start3A_55 = tpu.memref_squeeze %dma_start3A_54 : memref<1x128xi32, #tpu.memory_space<vmem>> -> memref<128xi32, #tpu.memory_space<vmem>>
    %dma_start3A_56 = arith.constant 0 : i32
    %dma_start3A_57 = arith.constant 0 : i32
    %dma_start3A_58 = tpu.memref_slice %arg3[%dma_start3A_56, %dma_start3A_57] : memref<1000000x64xf32, #tpu.memory_space<hbm>> -> memref<1000000x64xf32, #tpu.memory_space<hbm>>
    tpu.enqueue_indirect_dma source(%dma_start3A_58 : memref<1000000x64xf32, #tpu.memory_space<hbm>>) target(%dma_start3A_52 : memref<128x64xf32, #tpu.memory_space<vmem>>) offsets(%dma_start3A_55 : memref<128xi32, #tpu.memory_space<vmem>>) semaphore(%arg11 : memref<!tpu.dma_semaphore, #tpu.memory_space<semaphore_mem>>)
    %scan3A = arith.constant 0 : i32
    %scan3A_59 = arith.constant 0 : i32
    %scan3A_60 = arith.constant 50 : i32
    %scan3A_61 = arith.addi %scan3A_59, %scan3A_60 : i32
    %scan3A_62 = arith.constant 1 : i32
    scf.for %scan3A_187 = %scan3A_59 to %scan3A_61 step %scan3A_62  : i32 {
      %mul3A_188 = arith.constant 2 : i32
      %mul3A_189 = arith.muli %mul3A_188, %scan3A_187 : i32
      %add3A_190 = arith.constant 0 : i32
      %add3A_191 = arith.addi %mul3A_189, %add3A_190 : i32
      %dma_wait3A_192 = arith.constant 0 : i32
      %dma_wait3A_193 = arith.constant 0 : i32
      %dma_wait3A_194 = tpu.memref_slice %arg3[%dma_wait3A_192, %dma_wait3A_193] : memref<1000000x64xf32, #tpu.memory_space<hbm>> -> memref<256x64xf32, #tpu.memory_space<hbm>>
      %dma_wait3A_195 = arith.constant 0 : i32
      %dma_wait3A_196 = arith.constant 0 : i32
      %dma_wait3A_197 = tpu.memref_slice %arg3[%dma_wait3A_195, %dma_wait3A_196] : memref<1000000x64xf32, #tpu.memory_space<hbm>> -> memref<256x64xf32, #tpu.memory_space<hbm>>
      tpu.wait_dma2 semaphore(%arg10 : memref<!tpu.dma_semaphore, #tpu.memory_space<semaphore_mem>>) src(%dma_wait3A_197 : memref<256x64xf32, #tpu.memory_space<hbm>>) dst(%arg6 : memref<256x64xf32, #tpu.memory_space<vmem>>)
      %gt3A = arith.constant 0 : i32
      %gt3A_198 = arith.cmpi sgt, %scan3A_187, %gt3A : i32
      %convert_element_type3A = arith.extui %gt3A_198 : i1 to i32
      %cond3A = arith.constant 0 : i32
      %cond3A_199 = arith.cmpi ne, %convert_element_type3A, %cond3A : i32
      scf.if %cond3A_199 {
        %jit3A_363 = arith.constant 2 : i32
        %div3A_364 = arith.divsi %mul3A_4, %jit3A_363 : i32
        %sign3A_365 = arith.constant 0 : i32
        %sign3A_366 = arith.cmpi sgt, %mul3A_4, %sign3A_365 : i32
        %sign3A_367 = arith.extui %sign3A_366 : i1 to i32
        %sign3A_368 = arith.constant 0 : i32
        %sign3A_369 = arith.cmpi slt, %mul3A_4, %sign3A_368 : i32
        %sign3A_370 = arith.extui %sign3A_369 : i1 to i32
        %sign3A_371 = arith.subi %sign3A_367, %sign3A_370 : i32
        %sign3A_372 = arith.constant 0 : i32
        %sign3A_373 = arith.cmpi sgt, %jit3A_363, %sign3A_372 : i32
        %sign3A_374 = arith.extui %sign3A_373 : i1 to i32
        %sign3A_375 = arith.constant 0 : i32
        %sign3A_376 = arith.cmpi slt, %jit3A_363, %sign3A_375 : i32
        %sign3A_377 = arith.extui %sign3A_376 : i1 to i32
        %sign3A_378 = arith.subi %sign3A_374, %sign3A_377 : i32
        %ne3A_379 = arith.cmpi ne, %sign3A_371, %sign3A_378 : i32
        %rem3A_380 = arith.remsi %mul3A_4, %jit3A_363 : i32
        %ne3A_381 = arith.constant 0 : i32
        %ne3A_382 = arith.cmpi ne, %rem3A_380, %ne3A_381 : i32
        %and3A_383 = arith.andi %ne3A_379, %ne3A_382 : i1
        %sub3A_384 = arith.constant 1 : i32
        %sub3A_385 = arith.subi %div3A_364, %sub3A_384 : i32
        %select_n3A_386 = arith.select %and3A_383, %sub3A_385, %div3A_364 : i32
        %add3A_387 = arith.addi %select_n3A_386, %add3A_191 : i32
        %jit3A_388 = arith.constant 64 : i32
        %div3A_389 = arith.divsi %add3A_387, %jit3A_388 : i32
        %sign3A_390 = arith.constant 0 : i32
        %sign3A_391 = arith.cmpi sgt, %add3A_387, %sign3A_390 : i32
        %sign3A_392 = arith.extui %sign3A_391 : i1 to i32
        %sign3A_393 = arith.constant 0 : i32
        %sign3A_394 = arith.cmpi slt, %add3A_387, %sign3A_393 : i32
        %sign3A_395 = arith.extui %sign3A_394 : i1 to i32
        %sign3A_396 = arith.subi %sign3A_392, %sign3A_395 : i32
        %sign3A_397 = arith.constant 0 : i32
        %sign3A_398 = arith.cmpi sgt, %jit3A_388, %sign3A_397 : i32
        %sign3A_399 = arith.extui %sign3A_398 : i1 to i32
        %sign3A_400 = arith.constant 0 : i32
        %sign3A_401 = arith.cmpi slt, %jit3A_388, %sign3A_400 : i32
        %sign3A_402 = arith.extui %sign3A_401 : i1 to i32
        %sign3A_403 = arith.subi %sign3A_399, %sign3A_402 : i32
        %ne3A_404 = arith.cmpi ne, %sign3A_396, %sign3A_403 : i32
        %rem3A_405 = arith.remsi %add3A_387, %jit3A_388 : i32
        %ne3A_406 = arith.constant 0 : i32
        %ne3A_407 = arith.cmpi ne, %rem3A_405, %ne3A_406 : i32
        %and3A_408 = arith.andi %ne3A_404, %ne3A_407 : i1
        %sub3A_409 = arith.constant 1 : i32
        %sub3A_410 = arith.subi %div3A_389, %sub3A_409 : i32
        %select_n3A_411 = arith.select %and3A_408, %sub3A_410, %div3A_389 : i32
        %rem3A_412 = arith.constant 64 : i32
        %rem3A_413 = arith.remsi %add3A_387, %rem3A_412 : i32
        %mul3A_414 = arith.constant 256 : i32
        %mul3A_415 = arith.muli %rem3A_413, %mul3A_414 : i32
        %dma_wait3A_416 = arith.constant 0 : i32
        %dma_wait3A_417 = arith.constant 0 : i32
        %dma_wait3A_418 = tpu.memref_slice %arg8[%dma_wait3A_416, %dma_wait3A_417] : memref<64x257xf32, #tpu.memory_space<vmem>> -> memref<64x256xf32, #tpu.memory_space<vmem>>
        %dma_wait3A_419 = arith.constant 0 : i32
        %dma_wait3A_420 = tpu.memref_slice %arg4[%select_n3A_411, %dma_wait3A_419, %mul3A_415] : memref<50x64x16384xf32, #tpu.memory_space<hbm>> -> memref<1x64x256xf32, #tpu.memory_space<hbm>>
        %dma_wait3A_421 = tpu.memref_squeeze %dma_wait3A_420 : memref<1x64x256xf32, #tpu.memory_space<hbm>> -> memref<64x256xf32, #tpu.memory_space<hbm>>
        %dma_wait3A_422 = arith.constant 0 : i32
        %dma_wait3A_423 = tpu.memref_slice %arg4[%select_n3A_411, %dma_wait3A_422, %mul3A_415] : memref<50x64x16384xf32, #tpu.memory_space<hbm>> -> memref<1x64x256xf32, #tpu.memory_space<hbm>>
        %dma_wait3A_424 = tpu.memref_squeeze %dma_wait3A_423 : memref<1x64x256xf32, #tpu.memory_space<hbm>> -> memref<64x256xf32, #tpu.memory_space<hbm>>
        %dma_wait3A_425 = arith.constant 0 : i32
        %dma_wait3A_426 = arith.constant 0 : i32
        %dma_wait3A_427 = tpu.memref_slice %arg8[%dma_wait3A_425, %dma_wait3A_426] : memref<64x257xf32, #tpu.memory_space<vmem>> -> memref<64x256xf32, #tpu.memory_space<vmem>>
        tpu.wait_dma2 semaphore(%arg12 : memref<!tpu.dma_semaphore, #tpu.memory_space<semaphore_mem>>) src(%dma_wait3A_427 : memref<64x256xf32, #tpu.memory_space<vmem>>) dst(%dma_wait3A_424 : memref<64x256xf32, #tpu.memory_space<hbm>>)
      } else {
      }
      %parallel_loop3A = arith.constant 0 : i32
      %parallel_loop3A_200 = arith.constant 256 : i32
      %parallel_loop3A_201 = arith.constant 1 : i32
      scf.for %parallel_loop3A_363 = %parallel_loop3A to %parallel_loop3A_200 step %parallel_loop3A_201  : i32 {
        %parallel_loop3A_364 = vector.broadcast %parallel_loop3A_363 : i32 to vector<16xi32>
        %parallel_loop3A_365 = arith.index_cast %parallel_loop3A_363 : i32 to index
        %parallel_loop3A_366 = arith.constant 0 : index
        %parallel_loop3A_367 = tpu.vector_load %arg6[%parallel_loop3A_365, %parallel_loop3A_366] {strides = array<i32>} : memref<256x64xf32, #tpu.memory_space<vmem>>, vector<16xf32>,
        tpu.vector_store_idx %arg8[%add3A_7, %parallel_loop3A_364], %parallel_loop3A_367 : memref<64x257xf32, #tpu.memory_space<vmem>>[vector<16xi32>, vector<16xi32>], vector<16xf32>,
        %parallel_loop3A_368 = arith.index_cast %parallel_loop3A_363 : i32 to index
        %parallel_loop3A_369 = arith.constant 16 : index
        %parallel_loop3A_370 = tpu.vector_load %arg6[%parallel_loop3A_368, %parallel_loop3A_369] {strides = array<i32>} : memref<256x64xf32, #tpu.memory_space<vmem>>, vector<16xf32>,
        tpu.vector_store_idx %arg8[%add3A_11, %parallel_loop3A_364], %parallel_loop3A_370 : memref<64x257xf32, #tpu.memory_space<vmem>>[vector<16xi32>, vector<16xi32>], vector<16xf32>,
        %parallel_loop3A_371 = arith.index_cast %parallel_loop3A_363 : i32 to index
        %parallel_loop3A_372 = arith.constant 32 : index
        %parallel_loop3A_373 = tpu.vector_load %arg6[%parallel_loop3A_371, %parallel_loop3A_372] {strides = array<i32>} : memref<256x64xf32, #tpu.memory_space<vmem>>, vector<16xf32>,
        tpu.vector_store_idx %arg8[%add3A_15, %parallel_loop3A_364], %parallel_loop3A_373 : memref<64x257xf32, #tpu.memory_space<vmem>>[vector<16xi32>, vector<16xi32>], vector<16xf32>,
        %parallel_loop3A_374 = arith.index_cast %parallel_loop3A_363 : i32 to index
        %parallel_loop3A_375 = arith.constant 48 : index
        %parallel_loop3A_376 = tpu.vector_load %arg6[%parallel_loop3A_374, %parallel_loop3A_375] {strides = array<i32>} : memref<256x64xf32, #tpu.memory_space<vmem>>, vector<16xf32>,
        tpu.vector_store_idx %arg8[%add3A_19, %parallel_loop3A_364], %parallel_loop3A_376 : memref<64x257xf32, #tpu.memory_space<vmem>>[vector<16xi32>, vector<16xi32>], vector<16xf32>,
      } {sc.loop_unroll_factor = 4 : i64, sc.parallel_access}
      %jit3A_202 = arith.constant 2 : i32
      %div3A_203 = arith.divsi %mul3A_4, %jit3A_202 : i32
      %sign3A_204 = arith.constant 0 : i32
      %sign3A_205 = arith.cmpi sgt, %mul3A_4, %sign3A_204 : i32
      %sign3A_206 = arith.extui %sign3A_205 : i1 to i32
      %sign3A_207 = arith.constant 0 : i32
      %sign3A_208 = arith.cmpi slt, %mul3A_4, %sign3A_207 : i32
      %sign3A_209 = arith.extui %sign3A_208 : i1 to i32
      %sign3A_210 = arith.subi %sign3A_206, %sign3A_209 : i32
      %sign3A_211 = arith.constant 0 : i32
      %sign3A_212 = arith.cmpi sgt, %jit3A_202, %sign3A_211 : i32
      %sign3A_213 = arith.extui %sign3A_212 : i1 to i32
      %sign3A_214 = arith.constant 0 : i32
      %sign3A_215 = arith.cmpi slt, %jit3A_202, %sign3A_214 : i32
      %sign3A_216 = arith.extui %sign3A_215 : i1 to i32
      %sign3A_217 = arith.subi %sign3A_213, %sign3A_216 : i32
      %ne3A_218 = arith.cmpi ne, %sign3A_210, %sign3A_217 : i32
      %rem3A_219 = arith.remsi %mul3A_4, %jit3A_202 : i32
      %ne3A_220 = arith.constant 0 : i32
      %ne3A_221 = arith.cmpi ne, %rem3A_219, %ne3A_220 : i32
      %and3A_222 = arith.andi %ne3A_218, %ne3A_221 : i1
      %sub3A_223 = arith.constant 1 : i32
      %sub3A_224 = arith.subi %div3A_203, %sub3A_223 : i32
      %select_n3A_225 = arith.select %and3A_222, %sub3A_224, %div3A_203 : i32
      %add3A_226 = arith.addi %select_n3A_225, %add3A_191 : i32
      %jit3A_227 = arith.constant 64 : i32
      %div3A_228 = arith.divsi %add3A_226, %jit3A_227 : i32
      %sign3A_229 = arith.constant 0 : i32
      %sign3A_230 = arith.cmpi sgt, %add3A_226, %sign3A_229 : i32
      %sign3A_231 = arith.extui %sign3A_230 : i1 to i32
      %sign3A_232 = arith.constant 0 : i32
      %sign3A_233 = arith.cmpi slt, %add3A_226, %sign3A_232 : i32
      %sign3A_234 = arith.extui %sign3A_233 : i1 to i32
      %sign3A_235 = arith.subi %sign3A_231, %sign3A_234 : i32
      %sign3A_236 = arith.constant 0 : i32
      %sign3A_237 = arith.cmpi sgt, %jit3A_227, %sign3A_236 : i32
      %sign3A_238 = arith.extui %sign3A_237 : i1 to i32
      %sign3A_239 = arith.constant 0 : i32
      %sign3A_240 = arith.cmpi slt, %jit3A_227, %sign3A_239 : i32
      %sign3A_241 = arith.extui %sign3A_240 : i1 to i32
      %sign3A_242 = arith.subi %sign3A_238, %sign3A_241 : i32
      %ne3A_243 = arith.cmpi ne, %sign3A_235, %sign3A_242 : i32
      %rem3A_244 = arith.remsi %add3A_226, %jit3A_227 : i32
      %ne3A_245 = arith.constant 0 : i32
      %ne3A_246 = arith.cmpi ne, %rem3A_244, %ne3A_245 : i32
      %and3A_247 = arith.andi %ne3A_243, %ne3A_246 : i1
      %sub3A_248 = arith.constant 1 : i32
      %sub3A_249 = arith.subi %div3A_228, %sub3A_248 : i32
      %select_n3A_250 = arith.select %and3A_247, %sub3A_249, %div3A_228 : i32
      %rem3A_251 = arith.constant 64 : i32
      %rem3A_252 = arith.remsi %add3A_226, %rem3A_251 : i32
      %mul3A_253 = arith.constant 256 : i32
      %mul3A_254 = arith.muli %rem3A_252, %mul3A_253 : i32
      %dma_start3A_255 = arith.constant 0 : i32
      %dma_start3A_256 = arith.constant 0 : i32
      %dma_start3A_257 = tpu.memref_slice %arg8[%dma_start3A_255, %dma_start3A_256] : memref<64x257xf32, #tpu.memory_space<vmem>> -> memref<64x256xf32, #tpu.memory_space<vmem>>
      %dma_start3A_258 = arith.constant 0 : i32
      %dma_start3A_259 = tpu.memref_slice %arg4[%select_n3A_250, %dma_start3A_258, %mul3A_254] : memref<50x64x16384xf32, #tpu.memory_space<hbm>> -> memref<1x64x256xf32, #tpu.memory_space<hbm>>
      %dma_start3A_260 = tpu.memref_squeeze %dma_start3A_259 : memref<1x64x256xf32, #tpu.memory_space<hbm>> -> memref<64x256xf32, #tpu.memory_space<hbm>>
      %dma_start3A_261 = arith.constant 0 : i32
      %dma_start3A_262 = tpu.memref_slice %arg4[%select_n3A_250, %dma_start3A_261, %mul3A_254] : memref<50x64x16384xf32, #tpu.memory_space<hbm>> -> memref<1x64x256xf32, #tpu.memory_space<hbm>>
      %dma_start3A_263 = tpu.memref_squeeze %dma_start3A_262 : memref<1x64x256xf32, #tpu.memory_space<hbm>> -> memref<64x256xf32, #tpu.memory_space<hbm>>
      %dma_start3A_264 = arith.constant 0 : i32
      %dma_start3A_265 = arith.constant 0 : i32
      %dma_start3A_266 = tpu.memref_slice %arg8[%dma_start3A_264, %dma_start3A_265] : memref<64x257xf32, #tpu.memory_space<vmem>> -> memref<64x256xf32, #tpu.memory_space<vmem>>
      tpu.enqueue_dma source(%dma_start3A_266 : memref<64x256xf32, #tpu.memory_space<vmem>>) target(%dma_start3A_263 : memref<64x256xf32, #tpu.memory_space<hbm>>) target_semaphore(%arg12 : memref<!tpu.dma_semaphore, #tpu.memory_space<semaphore_mem>>)
      %add3A_267 = arith.constant 2 : i32
      %add3A_268 = arith.addi %add3A_191, %add3A_267 : i32
      %lt3A = arith.constant 100 : i32
      %lt3A_269 = arith.cmpi slt, %add3A_268, %lt3A : i32
      %convert_element_type3A_270 = arith.extui %lt3A_269 : i1 to i32
      %cond3A_271 = arith.constant 0 : i32
      %cond3A_272 = arith.cmpi ne, %convert_element_type3A_270, %cond3A_271 : i32
      scf.if %cond3A_272 {
        %add3A_363 = arith.constant 2 : i32
        %add3A_364 = arith.addi %add3A_191, %add3A_363 : i32
        %mul3A_365 = arith.constant 2 : i32
        %mul3A_366 = arith.muli %add3A_364, %mul3A_365 : i32
        %add3A_367 = arith.constant 0 : i32
        %add3A_368 = arith.addi %mul3A_366, %add3A_367 : i32
        %dma_start3A_369 = arith.constant 0 : i32
        %dma_start3A_370 = arith.constant 0 : i32
        %dma_start3A_371 = tpu.memref_slice %arg6[%dma_start3A_369, %dma_start3A_370] : memref<256x64xf32, #tpu.memory_space<vmem>> -> memref<128x64xf32, #tpu.memory_space<vmem>>
        %dma_start3A_372 = arith.constant 0 : i32
        %dma_start3A_373 = tpu.memref_slice %arg5[%add3A_368, %dma_start3A_372] : memref<200x128xi32, #tpu.memory_space<vmem>> -> memref<1x128xi32, #tpu.memory_space<vmem>>
        %dma_start3A_374 = tpu.memref_squeeze %dma_start3A_373 : memref<1x128xi32, #tpu.memory_space<vmem>> -> memref<128xi32, #tpu.memory_space<vmem>>
        %dma_start3A_375 = arith.constant 0 : i32
        %dma_start3A_376 = arith.constant 0 : i32
        %dma_start3A_377 = tpu.memref_slice %arg3[%dma_start3A_375, %dma_start3A_376] : memref<1000000x64xf32, #tpu.memory_space<hbm>> -> memref<1000000x64xf32, #tpu.memory_space<hbm>>
        tpu.enqueue_indirect_dma source(%dma_start3A_377 : memref<1000000x64xf32, #tpu.memory_space<hbm>>) target(%dma_start3A_371 : memref<128x64xf32, #tpu.memory_space<vmem>>) offsets(%dma_start3A_374 : memref<128xi32, #tpu.memory_space<vmem>>) semaphore(%arg10 : memref<!tpu.dma_semaphore, #tpu.memory_space<semaphore_mem>>)
        %mul3A_378 = arith.constant 2 : i32
        %mul3A_379 = arith.muli %add3A_364, %mul3A_378 : i32
        %add3A_380 = arith.constant 1 : i32
        %add3A_381 = arith.addi %mul3A_379, %add3A_380 : i32
        %dma_start3A_382 = arith.constant 128 : i32
        %dma_start3A_383 = arith.constant 0 : i32
        %dma_start3A_384 = tpu.memref_slice %arg6[%dma_start3A_382, %dma_start3A_383] : memref<256x64xf32, #tpu.memory_space<vmem>> -> memref<128x64xf32, #tpu.memory_space<vmem>>
        %dma_start3A_385 = arith.constant 0 : i32
        %dma_start3A_386 = tpu.memref_slice %arg5[%add3A_381, %dma_start3A_385] : memref<200x128xi32, #tpu.memory_space<vmem>> -> memref<1x128xi32, #tpu.memory_space<vmem>>
        %dma_start3A_387 = tpu.memref_squeeze %dma_start3A_386 : memref<1x128xi32, #tpu.memory_space<vmem>> -> memref<128xi32, #tpu.memory_space<vmem>>
        %dma_start3A_388 = arith.constant 0 : i32
        %dma_start3A_389 = arith.constant 0 : i32
        %dma_start3A_390 = tpu.memref_slice %arg3[%dma_start3A_388, %dma_start3A_389] : memref<1000000x64xf32, #tpu.memory_space<hbm>> -> memref<1000000x64xf32, #tpu.memory_space<hbm>>
        tpu.enqueue_indirect_dma source(%dma_start3A_390 : memref<1000000x64xf32, #tpu.memory_space<hbm>>) target(%dma_start3A_384 : memref<128x64xf32, #tpu.memory_space<vmem>>) offsets(%dma_start3A_387 : memref<128xi32, #tpu.memory_space<vmem>>) semaphore(%arg10 : memref<!tpu.dma_semaphore, #tpu.memory_space<semaphore_mem>>)
      } else {
      }
      %mul3A_273 = arith.constant 2 : i32
      %mul3A_274 = arith.muli %mul3A_273, %scan3A_187 : i32
      %add3A_275 = arith.constant 1 : i32
      %add3A_276 = arith.addi %mul3A_274, %add3A_275 : i32
      %dma_wait3A_277 = arith.constant 0 : i32
      %dma_wait3A_278 = arith.constant 0 : i32
      %dma_wait3A_279 = tpu.memref_slice %arg3[%dma_wait3A_277, %dma_wait3A_278] : memref<1000000x64xf32, #tpu.memory_space<hbm>> -> memref<256x64xf32, #tpu.memory_space<hbm>>
      %dma_wait3A_280 = arith.constant 0 : i32
      %dma_wait3A_281 = arith.constant 0 : i32
      %dma_wait3A_282 = tpu.memref_slice %arg3[%dma_wait3A_280, %dma_wait3A_281] : memref<1000000x64xf32, #tpu.memory_space<hbm>> -> memref<256x64xf32, #tpu.memory_space<hbm>>
      tpu.wait_dma2 semaphore(%arg11 : memref<!tpu.dma_semaphore, #tpu.memory_space<semaphore_mem>>) src(%dma_wait3A_282 : memref<256x64xf32, #tpu.memory_space<hbm>>) dst(%arg7 : memref<256x64xf32, #tpu.memory_space<vmem>>)
      %gt3A_283 = arith.constant 0 : i32
      %gt3A_284 = arith.cmpi sgt, %scan3A_187, %gt3A_283 : i32
      %convert_element_type3A_285 = arith.extui %gt3A_284 : i1 to i32
      %cond3A_286 = arith.constant 0 : i32
      %cond3A_287 = arith.cmpi ne, %convert_element_type3A_285, %cond3A_286 : i32
      scf.if %cond3A_287 {
        %jit3A_363 = arith.constant 2 : i32
        %div3A_364 = arith.divsi %mul3A_4, %jit3A_363 : i32
        %sign3A_365 = arith.constant 0 : i32
        %sign3A_366 = arith.cmpi sgt, %mul3A_4, %sign3A_365 : i32
        %sign3A_367 = arith.extui %sign3A_366 : i1 to i32
        %sign3A_368 = arith.constant 0 : i32
        %sign3A_369 = arith.cmpi slt, %mul3A_4, %sign3A_368 : i32
        %sign3A_370 = arith.extui %sign3A_369 : i1 to i32
        %sign3A_371 = arith.subi %sign3A_367, %sign3A_370 : i32
        %sign3A_372 = arith.constant 0 : i32
        %sign3A_373 = arith.cmpi sgt, %jit3A_363, %sign3A_372 : i32
        %sign3A_374 = arith.extui %sign3A_373 : i1 to i32
        %sign3A_375 = arith.constant 0 : i32
        %sign3A_376 = arith.cmpi slt, %jit3A_363, %sign3A_375 : i32
        %sign3A_377 = arith.extui %sign3A_376 : i1 to i32
        %sign3A_378 = arith.subi %sign3A_374, %sign3A_377 : i32
        %ne3A_379 = arith.cmpi ne, %sign3A_371, %sign3A_378 : i32
        %rem3A_380 = arith.remsi %mul3A_4, %jit3A_363 : i32
        %ne3A_381 = arith.constant 0 : i32
        %ne3A_382 = arith.cmpi ne, %rem3A_380, %ne3A_381 : i32
        %and3A_383 = arith.andi %ne3A_379, %ne3A_382 : i1
        %sub3A_384 = arith.constant 1 : i32
        %sub3A_385 = arith.subi %div3A_364, %sub3A_384 : i32
        %select_n3A_386 = arith.select %and3A_383, %sub3A_385, %div3A_364 : i32
        %add3A_387 = arith.addi %select_n3A_386, %add3A_276 : i32
        %jit3A_388 = arith.constant 64 : i32
        %div3A_389 = arith.divsi %add3A_387, %jit3A_388 : i32
        %sign3A_390 = arith.constant 0 : i32
        %sign3A_391 = arith.cmpi sgt, %add3A_387, %sign3A_390 : i32
        %sign3A_392 = arith.extui %sign3A_391 : i1 to i32
        %sign3A_393 = arith.constant 0 : i32
        %sign3A_394 = arith.cmpi slt, %add3A_387, %sign3A_393 : i32
        %sign3A_395 = arith.extui %sign3A_394 : i1 to i32
        %sign3A_396 = arith.subi %sign3A_392, %sign3A_395 : i32
        %sign3A_397 = arith.constant 0 : i32
        %sign3A_398 = arith.cmpi sgt, %jit3A_388, %sign3A_397 : i32
        %sign3A_399 = arith.extui %sign3A_398 : i1 to i32
        %sign3A_400 = arith.constant 0 : i32
        %sign3A_401 = arith.cmpi slt, %jit3A_388, %sign3A_400 : i32
        %sign3A_402 = arith.extui %sign3A_401 : i1 to i32
        %sign3A_403 = arith.subi %sign3A_399, %sign3A_402 : i32
        %ne3A_404 = arith.cmpi ne, %sign3A_396, %sign3A_403 : i32
        %rem3A_405 = arith.remsi %add3A_387, %jit3A_388 : i32
        %ne3A_406 = arith.constant 0 : i32
        %ne3A_407 = arith.cmpi ne, %rem3A_405, %ne3A_406 : i32
        %and3A_408 = arith.andi %ne3A_404, %ne3A_407 : i1
        %sub3A_409 = arith.constant 1 : i32
        %sub3A_410 = arith.subi %div3A_389, %sub3A_409 : i32
        %select_n3A_411 = arith.select %and3A_408, %sub3A_410, %div3A_389 : i32
        %rem3A_412 = arith.constant 64 : i32
        %rem3A_413 = arith.remsi %add3A_387, %rem3A_412 : i32
        %mul3A_414 = arith.constant 256 : i32
        %mul3A_415 = arith.muli %rem3A_413, %mul3A_414 : i32
        %dma_wait3A_416 = arith.constant 0 : i32
        %dma_wait3A_417 = arith.constant 0 : i32
        %dma_wait3A_418 = tpu.memref_slice %arg9[%dma_wait3A_416, %dma_wait3A_417] : memref<64x257xf32, #tpu.memory_space<vmem>> -> memref<64x256xf32, #tpu.memory_space<vmem>>
        %dma_wait3A_419 = arith.constant 0 : i32
        %dma_wait3A_420 = tpu.memref_slice %arg4[%select_n3A_411, %dma_wait3A_419, %mul3A_415] : memref<50x64x16384xf32, #tpu.memory_space<hbm>> -> memref<1x64x256xf32, #tpu.memory_space<hbm>>
        %dma_wait3A_421 = tpu.memref_squeeze %dma_wait3A_420 : memref<1x64x256xf32, #tpu.memory_space<hbm>> -> memref<64x256xf32, #tpu.memory_space<hbm>>
        %dma_wait3A_422 = arith.constant 0 : i32
        %dma_wait3A_423 = tpu.memref_slice %arg4[%select_n3A_411, %dma_wait3A_422, %mul3A_415] : memref<50x64x16384xf32, #tpu.memory_space<hbm>> -> memref<1x64x256xf32, #tpu.memory_space<hbm>>
        %dma_wait3A_424 = tpu.memref_squeeze %dma_wait3A_423 : memref<1x64x256xf32, #tpu.memory_space<hbm>> -> memref<64x256xf32, #tpu.memory_space<hbm>>
        %dma_wait3A_425 = arith.constant 0 : i32
        %dma_wait3A_426 = arith.constant 0 : i32
        %dma_wait3A_427 = tpu.memref_slice %arg9[%dma_wait3A_425, %dma_wait3A_426] : memref<64x257xf32, #tpu.memory_space<vmem>> -> memref<64x256xf32, #tpu.memory_space<vmem>>
        tpu.wait_dma2 semaphore(%arg13 : memref<!tpu.dma_semaphore, #tpu.memory_space<semaphore_mem>>) src(%dma_wait3A_427 : memref<64x256xf32, #tpu.memory_space<vmem>>) dst(%dma_wait3A_424 : memref<64x256xf32, #tpu.memory_space<hbm>>)
      } else {
      }
      %parallel_loop3A_288 = arith.constant 0 : i32
      %parallel_loop3A_289 = arith.constant 256 : i32
      %parallel_loop3A_290 = arith.constant 1 : i32
      scf.for %parallel_loop3A_363 = %parallel_loop3A_288 to %parallel_loop3A_289 step %parallel_loop3A_290  : i32 {
        %parallel_loop3A_364 = vector.broadcast %parallel_loop3A_363 : i32 to vector<16xi32>
        %parallel_loop3A_365 = arith.index_cast %parallel_loop3A_363 : i32 to index
        %parallel_loop3A_366 = arith.constant 0 : index
        %parallel_loop3A_367 = tpu.vector_load %arg7[%parallel_loop3A_365, %parallel_loop3A_366] {strides = array<i32>} : memref<256x64xf32, #tpu.memory_space<vmem>>, vector<16xf32>,
        tpu.vector_store_idx %arg9[%add3A_7, %parallel_loop3A_364], %parallel_loop3A_367 : memref<64x257xf32, #tpu.memory_space<vmem>>[vector<16xi32>, vector<16xi32>], vector<16xf32>,
        %parallel_loop3A_368 = arith.index_cast %parallel_loop3A_363 : i32 to index
        %parallel_loop3A_369 = arith.constant 16 : index
        %parallel_loop3A_370 = tpu.vector_load %arg7[%parallel_loop3A_368, %parallel_loop3A_369] {strides = array<i32>} : memref<256x64xf32, #tpu.memory_space<vmem>>, vector<16xf32>,
        tpu.vector_store_idx %arg9[%add3A_11, %parallel_loop3A_364], %parallel_loop3A_370 : memref<64x257xf32, #tpu.memory_space<vmem>>[vector<16xi32>, vector<16xi32>], vector<16xf32>,
        %parallel_loop3A_371 = arith.index_cast %parallel_loop3A_363 : i32 to index
        %parallel_loop3A_372 = arith.constant 32 : index
        %parallel_loop3A_373 = tpu.vector_load %arg7[%parallel_loop3A_371, %parallel_loop3A_372] {strides = array<i32>} : memref<256x64xf32, #tpu.memory_space<vmem>>, vector<16xf32>,
        tpu.vector_store_idx %arg9[%add3A_15, %parallel_loop3A_364], %parallel_loop3A_373 : memref<64x257xf32, #tpu.memory_space<vmem>>[vector<16xi32>, vector<16xi32>], vector<16xf32>,
        %parallel_loop3A_374 = arith.index_cast %parallel_loop3A_363 : i32 to index
        %parallel_loop3A_375 = arith.constant 48 : index
        %parallel_loop3A_376 = tpu.vector_load %arg7[%parallel_loop3A_374, %parallel_loop3A_375] {strides = array<i32>} : memref<256x64xf32, #tpu.memory_space<vmem>>, vector<16xf32>,
        tpu.vector_store_idx %arg9[%add3A_19, %parallel_loop3A_364], %parallel_loop3A_376 : memref<64x257xf32, #tpu.memory_space<vmem>>[vector<16xi32>, vector<16xi32>], vector<16xf32>,
      } {sc.loop_unroll_factor = 4 : i64, sc.parallel_access}
      %jit3A_291 = arith.constant 2 : i32
      %div3A_292 = arith.divsi %mul3A_4, %jit3A_291 : i32
      %sign3A_293 = arith.constant 0 : i32
      %sign3A_294 = arith.cmpi sgt, %mul3A_4, %sign3A_293 : i32
      %sign3A_295 = arith.extui %sign3A_294 : i1 to i32
      %sign3A_296 = arith.constant 0 : i32
      %sign3A_297 = arith.cmpi slt, %mul3A_4, %sign3A_296 : i32
      %sign3A_298 = arith.extui %sign3A_297 : i1 to i32
      %sign3A_299 = arith.subi %sign3A_295, %sign3A_298 : i32
      %sign3A_300 = arith.constant 0 : i32
      %sign3A_301 = arith.cmpi sgt, %jit3A_291, %sign3A_300 : i32
      %sign3A_302 = arith.extui %sign3A_301 : i1 to i32
      %sign3A_303 = arith.constant 0 : i32
      %sign3A_304 = arith.cmpi slt, %jit3A_291, %sign3A_303 : i32
      %sign3A_305 = arith.extui %sign3A_304 : i1 to i32
      %sign3A_306 = arith.subi %sign3A_302, %sign3A_305 : i32
      %ne3A_307 = arith.cmpi ne, %sign3A_299, %sign3A_306 : i32
      %rem3A_308 = arith.remsi %mul3A_4, %jit3A_291 : i32
      %ne3A_309 = arith.constant 0 : i32
      %ne3A_310 = arith.cmpi ne, %rem3A_308, %ne3A_309 : i32
      %and3A_311 = arith.andi %ne3A_307, %ne3A_310 : i1
      %sub3A_312 = arith.constant 1 : i32
      %sub3A_313 = arith.subi %div3A_292, %sub3A_312 : i32
      %select_n3A_314 = arith.select %and3A_311, %sub3A_313, %div3A_292 : i32
      %add3A_315 = arith.addi %select_n3A_314, %add3A_276 : i32
      %jit3A_316 = arith.constant 64 : i32
      %div3A_317 = arith.divsi %add3A_315, %jit3A_316 : i32
      %sign3A_318 = arith.constant 0 : i32
      %sign3A_319 = arith.cmpi sgt, %add3A_315, %sign3A_318 : i32
      %sign3A_320 = arith.extui %sign3A_319 : i1 to i32
      %sign3A_321 = arith.constant 0 : i32
      %sign3A_322 = arith.cmpi slt, %add3A_315, %sign3A_321 : i32
      %sign3A_323 = arith.extui %sign3A_322 : i1 to i32
      %sign3A_324 = arith.subi %sign3A_320, %sign3A_323 : i32
      %sign3A_325 = arith.constant 0 : i32
      %sign3A_326 = arith.cmpi sgt, %jit3A_316, %sign3A_325 : i32
      %sign3A_327 = arith.extui %sign3A_326 : i1 to i32
      %sign3A_328 = arith.constant 0 : i32
      %sign3A_329 = arith.cmpi slt, %jit3A_316, %sign3A_328 : i32
      %sign3A_330 = arith.extui %sign3A_329 : i1 to i32
      %sign3A_331 = arith.subi %sign3A_327, %sign3A_330 : i32
      %ne3A_332 = arith.cmpi ne, %sign3A_324, %sign3A_331 : i32
      %rem3A_333 = arith.remsi %add3A_315, %jit3A_316 : i32
      %ne3A_334 = arith.constant 0 : i32
      %ne3A_335 = arith.cmpi ne, %rem3A_333, %ne3A_334 : i32
      %and3A_336 = arith.andi %ne3A_332, %ne3A_335 : i1
      %sub3A_337 = arith.constant 1 : i32
      %sub3A_338 = arith.subi %div3A_317, %sub3A_337 : i32
      %select_n3A_339 = arith.select %and3A_336, %sub3A_338, %div3A_317 : i32
      %rem3A_340 = arith.constant 64 : i32
      %rem3A_341 = arith.remsi %add3A_315, %rem3A_340 : i32
      %mul3A_342 = arith.constant 256 : i32
      %mul3A_343 = arith.muli %rem3A_341, %mul3A_342 : i32
      %dma_start3A_344 = arith.constant 0 : i32
      %dma_start3A_345 = arith.constant 0 : i32
      %dma_start3A_346 = tpu.memref_slice %arg9[%dma_start3A_344, %dma_start3A_345] : memref<64x257xf32, #tpu.memory_space<vmem>> -> memref<64x256xf32, #tpu.memory_space<vmem>>
      %dma_start3A_347 = arith.constant 0 : i32
      %dma_start3A_348 = tpu.memref_slice %arg4[%select_n3A_339, %dma_start3A_347, %mul3A_343] : memref<50x64x16384xf32, #tpu.memory_space<hbm>> -> memref<1x64x256xf32, #tpu.memory_space<hbm>>
      %dma_start3A_349 = tpu.memref_squeeze %dma_start3A_348 : memref<1x64x256xf32, #tpu.memory_space<hbm>> -> memref<64x256xf32, #tpu.memory_space<hbm>>
      %dma_start3A_350 = arith.constant 0 : i32
      %dma_start3A_351 = tpu.memref_slice %arg4[%select_n3A_339, %dma_start3A_350, %mul3A_343] : memref<50x64x16384xf32, #tpu.memory_space<hbm>> -> memref<1x64x256xf32, #tpu.memory_space<hbm>>
      %dma_start3A_352 = tpu.memref_squeeze %dma_start3A_351 : memref<1x64x256xf32, #tpu.memory_space<hbm>> -> memref<64x256xf32, #tpu.memory_space<hbm>>
      %dma_start3A_353 = arith.constant 0 : i32
      %dma_start3A_354 = arith.constant 0 : i32
      %dma_start3A_355 = tpu.memref_slice %arg9[%dma_start3A_353, %dma_start3A_354] : memref<64x257xf32, #tpu.memory_space<vmem>> -> memref<64x256xf32, #tpu.memory_space<vmem>>
      tpu.enqueue_dma source(%dma_start3A_355 : memref<64x256xf32, #tpu.memory_space<vmem>>) target(%dma_start3A_352 : memref<64x256xf32, #tpu.memory_space<hbm>>) target_semaphore(%arg13 : memref<!tpu.dma_semaphore, #tpu.memory_space<semaphore_mem>>)
      %add3A_356 = arith.constant 2 : i32
      %add3A_357 = arith.addi %add3A_276, %add3A_356 : i32
      %lt3A_358 = arith.constant 100 : i32
      %lt3A_359 = arith.cmpi slt, %add3A_357, %lt3A_358 : i32
      %convert_element_type3A_360 = arith.extui %lt3A_359 : i1 to i32
      %cond3A_361 = arith.constant 0 : i32
      %cond3A_362 = arith.cmpi ne, %convert_element_type3A_360, %cond3A_361 : i32
      scf.if %cond3A_362 {
        %add3A_363 = arith.constant 2 : i32
        %add3A_364 = arith.addi %add3A_276, %add3A_363 : i32
        %mul3A_365 = arith.constant 2 : i32
        %mul3A_366 = arith.muli %add3A_364, %mul3A_365 : i32
        %add3A_367 = arith.constant 0 : i32
        %add3A_368 = arith.addi %mul3A_366, %add3A_367 : i32
        %dma_start3A_369 = arith.constant 0 : i32
        %dma_start3A_370 = arith.constant 0 : i32
        %dma_start3A_371 = tpu.memref_slice %arg7[%dma_start3A_369, %dma_start3A_370] : memref<256x64xf32, #tpu.memory_space<vmem>> -> memref<128x64xf32, #tpu.memory_space<vmem>>
        %dma_start3A_372 = arith.constant 0 : i32
        %dma_start3A_373 = tpu.memref_slice %arg5[%add3A_368, %dma_start3A_372] : memref<200x128xi32, #tpu.memory_space<vmem>> -> memref<1x128xi32, #tpu.memory_space<vmem>>
        %dma_start3A_374 = tpu.memref_squeeze %dma_start3A_373 : memref<1x128xi32, #tpu.memory_space<vmem>> -> memref<128xi32, #tpu.memory_space<vmem>>
        %dma_start3A_375 = arith.constant 0 : i32
        %dma_start3A_376 = arith.constant 0 : i32
        %dma_start3A_377 = tpu.memref_slice %arg3[%dma_start3A_375, %dma_start3A_376] : memref<1000000x64xf32, #tpu.memory_space<hbm>> -> memref<1000000x64xf32, #tpu.memory_space<hbm>>
        tpu.enqueue_indirect_dma source(%dma_start3A_377 : memref<1000000x64xf32, #tpu.memory_space<hbm>>) target(%dma_start3A_371 : memref<128x64xf32, #tpu.memory_space<vmem>>) offsets(%dma_start3A_374 : memref<128xi32, #tpu.memory_space<vmem>>) semaphore(%arg11 : memref<!tpu.dma_semaphore, #tpu.memory_space<semaphore_mem>>)
        %mul3A_378 = arith.constant 2 : i32
        %mul3A_379 = arith.muli %add3A_364, %mul3A_378 : i32
        %add3A_380 = arith.constant 1 : i32
        %add3A_381 = arith.addi %mul3A_379, %add3A_380 : i32
        %dma_start3A_382 = arith.constant 128 : i32
        %dma_start3A_383 = arith.constant 0 : i32
        %dma_start3A_384 = tpu.memref_slice %arg7[%dma_start3A_382, %dma_start3A_383] : memref<256x64xf32, #tpu.memory_space<vmem>> -> memref<128x64xf32, #tpu.memory_space<vmem>>
        %dma_start3A_385 = arith.constant 0 : i32
        %dma_start3A_386 = tpu.memref_slice %arg5[%add3A_381, %dma_start3A_385] : memref<200x128xi32, #tpu.memory_space<vmem>> -> memref<1x128xi32, #tpu.memory_space<vmem>>
        %dma_start3A_387 = tpu.memref_squeeze %dma_start3A_386 : memref<1x128xi32, #tpu.memory_space<vmem>> -> memref<128xi32, #tpu.memory_space<vmem>>
        %dma_start3A_388 = arith.constant 0 : i32
        %dma_start3A_389 = arith.constant 0 : i32
        %dma_start3A_390 = tpu.memref_slice %arg3[%dma_start3A_388, %dma_start3A_389] : memref<1000000x64xf32, #tpu.memory_space<hbm>> -> memref<1000000x64xf32, #tpu.memory_space<hbm>>
        tpu.enqueue_indirect_dma source(%dma_start3A_390 : memref<1000000x64xf32, #tpu.memory_space<hbm>>) target(%dma_start3A_384 : memref<128x64xf32, #tpu.memory_space<vmem>>) offsets(%dma_start3A_387 : memref<128xi32, #tpu.memory_space<vmem>>) semaphore(%arg11 : memref<!tpu.dma_semaphore, #tpu.memory_space<semaphore_mem>>)
      } else {
      }
    }
    %scan3A_63 = arith.constant 50 : i32
    %jit3A = arith.constant 2 : i32
    %div3A = arith.divsi %mul3A_4, %jit3A : i32
    %sign3A = arith.constant 0 : i32
    %sign3A_64 = arith.cmpi sgt, %mul3A_4, %sign3A : i32
    %sign3A_65 = arith.extui %sign3A_64 : i1 to i32
    %sign3A_66 = arith.constant 0 : i32
    %sign3A_67 = arith.cmpi slt, %mul3A_4, %sign3A_66 : i32
    %sign3A_68 = arith.extui %sign3A_67 : i1 to i32
    %sign3A_69 = arith.subi %sign3A_65, %sign3A_68 : i32
    %sign3A_70 = arith.constant 0 : i32
    %sign3A_71 = arith.cmpi sgt, %jit3A, %sign3A_70 : i32
    %sign3A_72 = arith.extui %sign3A_71 : i1 to i32
    %sign3A_73 = arith.constant 0 : i32
    %sign3A_74 = arith.cmpi slt, %jit3A, %sign3A_73 : i32
    %sign3A_75 = arith.extui %sign3A_74 : i1 to i32
    %sign3A_76 = arith.subi %sign3A_72, %sign3A_75 : i32
    %ne3A = arith.cmpi ne, %sign3A_69, %sign3A_76 : i32
    %rem3A = arith.remsi %mul3A_4, %jit3A : i32
    %ne3A_77 = arith.constant 0 : i32
    %ne3A_78 = arith.cmpi ne, %rem3A, %ne3A_77 : i32
    %and3A = arith.andi %ne3A, %ne3A_78 : i1
    %sub3A = arith.constant 1 : i32
    %sub3A_79 = arith.subi %div3A, %sub3A : i32
    %select_n3A = arith.select %and3A, %sub3A_79, %div3A : i32
    %add3A_80 = arith.constant 98 : i32
    %add3A_81 = arith.addi %select_n3A, %add3A_80 : i32
    %jit3A_82 = arith.constant 64 : i32
    %div3A_83 = arith.divsi %add3A_81, %jit3A_82 : i32
    %sign3A_84 = arith.constant 0 : i32
    %sign3A_85 = arith.cmpi sgt, %add3A_81, %sign3A_84 : i32
    %sign3A_86 = arith.extui %sign3A_85 : i1 to i32
    %sign3A_87 = arith.constant 0 : i32
    %sign3A_88 = arith.cmpi slt, %add3A_81, %sign3A_87 : i32
    %sign3A_89 = arith.extui %sign3A_88 : i1 to i32
    %sign3A_90 = arith.subi %sign3A_86, %sign3A_89 : i32
    %sign3A_91 = arith.constant 0 : i32
    %sign3A_92 = arith.cmpi sgt, %jit3A_82, %sign3A_91 : i32
    %sign3A_93 = arith.extui %sign3A_92 : i1 to i32
    %sign3A_94 = arith.constant 0 : i32
    %sign3A_95 = arith.cmpi slt, %jit3A_82, %sign3A_94 : i32
    %sign3A_96 = arith.extui %sign3A_95 : i1 to i32
    %sign3A_97 = arith.subi %sign3A_93, %sign3A_96 : i32
    %ne3A_98 = arith.cmpi ne, %sign3A_90, %sign3A_97 : i32
    %rem3A_99 = arith.remsi %add3A_81, %jit3A_82 : i32
    %ne3A_100 = arith.constant 0 : i32
    %ne3A_101 = arith.cmpi ne, %rem3A_99, %ne3A_100 : i32
    %and3A_102 = arith.andi %ne3A_98, %ne3A_101 : i1
    %sub3A_103 = arith.constant 1 : i32
    %sub3A_104 = arith.subi %div3A_83, %sub3A_103 : i32
    %select_n3A_105 = arith.select %and3A_102, %sub3A_104, %div3A_83 : i32
    %rem3A_106 = arith.constant 64 : i32
    %rem3A_107 = arith.remsi %add3A_81, %rem3A_106 : i32
    %mul3A_108 = arith.constant 256 : i32
    %mul3A_109 = arith.muli %rem3A_107, %mul3A_108 : i32
    %dma_wait3A = arith.constant 0 : i32
    %dma_wait3A_110 = arith.constant 0 : i32
    %dma_wait3A_111 = tpu.memref_slice %arg8[%dma_wait3A, %dma_wait3A_110] : memref<64x257xf32, #tpu.memory_space<vmem>> -> memref<64x256xf32, #tpu.memory_space<vmem>>
    %dma_wait3A_112 = arith.constant 0 : i32
    %dma_wait3A_113 = tpu.memref_slice %arg4[%select_n3A_105, %dma_wait3A_112, %mul3A_109] : memref<50x64x16384xf32, #tpu.memory_space<hbm>> -> memref<1x64x256xf32, #tpu.memory_space<hbm>>
    %dma_wait3A_114 = tpu.memref_squeeze %dma_wait3A_113 : memref<1x64x256xf32, #tpu.memory_space<hbm>> -> memref<64x256xf32, #tpu.memory_space<hbm>>
    %dma_wait3A_115 = arith.constant 0 : i32
    %dma_wait3A_116 = tpu.memref_slice %arg4[%select_n3A_105, %dma_wait3A_115, %mul3A_109] : memref<50x64x16384xf32, #tpu.memory_space<hbm>> -> memref<1x64x256xf32, #tpu.memory_space<hbm>>
    %dma_wait3A_117 = tpu.memref_squeeze %dma_wait3A_116 : memref<1x64x256xf32, #tpu.memory_space<hbm>> -> memref<64x256xf32, #tpu.memory_space<hbm>>
    %dma_wait3A_118 = arith.constant 0 : i32
    %dma_wait3A_119 = arith.constant 0 : i32
    %dma_wait3A_120 = tpu.memref_slice %arg8[%dma_wait3A_118, %dma_wait3A_119] : memref<64x257xf32, #tpu.memory_space<vmem>> -> memref<64x256xf32, #tpu.memory_space<vmem>>
    tpu.wait_dma2 semaphore(%arg12 : memref<!tpu.dma_semaphore, #tpu.memory_space<semaphore_mem>>) src(%dma_wait3A_120 : memref<64x256xf32, #tpu.memory_space<vmem>>) dst(%dma_wait3A_117 : memref<64x256xf32, #tpu.memory_space<hbm>>)
    %jit3A_121 = arith.constant 2 : i32
    %div3A_122 = arith.divsi %mul3A_4, %jit3A_121 : i32
    %sign3A_123 = arith.constant 0 : i32
    %sign3A_124 = arith.cmpi sgt, %mul3A_4, %sign3A_123 : i32
    %sign3A_125 = arith.extui %sign3A_124 : i1 to i32
    %sign3A_126 = arith.constant 0 : i32
    %sign3A_127 = arith.cmpi slt, %mul3A_4, %sign3A_126 : i32
    %sign3A_128 = arith.extui %sign3A_127 : i1 to i32
    %sign3A_129 = arith.subi %sign3A_125, %sign3A_128 : i32
    %sign3A_130 = arith.constant 0 : i32
    %sign3A_131 = arith.cmpi sgt, %jit3A_121, %sign3A_130 : i32
    %sign3A_132 = arith.extui %sign3A_131 : i1 to i32
    %sign3A_133 = arith.constant 0 : i32
    %sign3A_134 = arith.cmpi slt, %jit3A_121, %sign3A_133 : i32
    %sign3A_135 = arith.extui %sign3A_134 : i1 to i32
    %sign3A_136 = arith.subi %sign3A_132, %sign3A_135 : i32
    %ne3A_137 = arith.cmpi ne, %sign3A_129, %sign3A_136 : i32
    %rem3A_138 = arith.remsi %mul3A_4, %jit3A_121 : i32
    %ne3A_139 = arith.constant 0 : i32
    %ne3A_140 = arith.cmpi ne, %rem3A_138, %ne3A_139 : i32
    %and3A_141 = arith.andi %ne3A_137, %ne3A_140 : i1
    %sub3A_142 = arith.constant 1 : i32
    %sub3A_143 = arith.subi %div3A_122, %sub3A_142 : i32
    %select_n3A_144 = arith.select %and3A_141, %sub3A_143, %div3A_122 : i32
    %add3A_145 = arith.constant 99 : i32
    %add3A_146 = arith.addi %select_n3A_144, %add3A_145 : i32
    %jit3A_147 = arith.constant 64 : i32
    %div3A_148 = arith.divsi %add3A_146, %jit3A_147 : i32
    %sign3A_149 = arith.constant 0 : i32
    %sign3A_150 = arith.cmpi sgt, %add3A_146, %sign3A_149 : i32
    %sign3A_151 = arith.extui %sign3A_150 : i1 to i32
    %sign3A_152 = arith.constant 0 : i32
    %sign3A_153 = arith.cmpi slt, %add3A_146, %sign3A_152 : i32
    %sign3A_154 = arith.extui %sign3A_153 : i1 to i32
    %sign3A_155 = arith.subi %sign3A_151, %sign3A_154 : i32
    %sign3A_156 = arith.constant 0 : i32
    %sign3A_157 = arith.cmpi sgt, %jit3A_147, %sign3A_156 : i32
    %sign3A_158 = arith.extui %sign3A_157 : i1 to i32
    %sign3A_159 = arith.constant 0 : i32
    %sign3A_160 = arith.cmpi slt, %jit3A_147, %sign3A_159 : i32
    %sign3A_161 = arith.extui %sign3A_160 : i1 to i32
    %sign3A_162 = arith.subi %sign3A_158, %sign3A_161 : i32
    %ne3A_163 = arith.cmpi ne, %sign3A_155, %sign3A_162 : i32
    %rem3A_164 = arith.remsi %add3A_146, %jit3A_147 : i32
    %ne3A_165 = arith.constant 0 : i32
    %ne3A_166 = arith.cmpi ne, %rem3A_164, %ne3A_165 : i32
    %and3A_167 = arith.andi %ne3A_163, %ne3A_166 : i1
    %sub3A_168 = arith.constant 1 : i32
    %sub3A_169 = arith.subi %div3A_148, %sub3A_168 : i32
    %select_n3A_170 = arith.select %and3A_167, %sub3A_169, %div3A_148 : i32
    %rem3A_171 = arith.constant 64 : i32
    %rem3A_172 = arith.remsi %add3A_146, %rem3A_171 : i32
    %mul3A_173 = arith.constant 256 : i32
    %mul3A_174 = arith.muli %rem3A_172, %mul3A_173 : i32
    %dma_wait3A_175 = arith.constant 0 : i32
    %dma_wait3A_176 = arith.constant 0 : i32
    %dma_wait3A_177 = tpu.memref_slice %arg9[%dma_wait3A_175, %dma_wait3A_176] : memref<64x257xf32, #tpu.memory_space<vmem>> -> memref<64x256xf32, #tpu.memory_space<vmem>>
    %dma_wait3A_178 = arith.constant 0 : i32
    %dma_wait3A_179 = tpu.memref_slice %arg4[%select_n3A_170, %dma_wait3A_178, %mul3A_174] : memref<50x64x16384xf32, #tpu.memory_space<hbm>> -> memref<1x64x256xf32, #tpu.memory_space<hbm>>
    %dma_wait3A_180 = tpu.memref_squeeze %dma_wait3A_179 : memref<1x64x256xf32, #tpu.memory_space<hbm>> -> memref<64x256xf32, #tpu.memory_space<hbm>>
    %dma_wait3A_181 = arith.constant 0 : i32
    %dma_wait3A_182 = tpu.memref_slice %arg4[%select_n3A_170, %dma_wait3A_181, %mul3A_174] : memref<50x64x16384xf32, #tpu.memory_space<hbm>> -> memref<1x64x256xf32, #tpu.memory_space<hbm>>
    %dma_wait3A_183 = tpu.memref_squeeze %dma_wait3A_182 : memref<1x64x256xf32, #tpu.memory_space<hbm>> -> memref<64x256xf32, #tpu.memory_space<hbm>>
    %dma_wait3A_184 = arith.constant 0 : i32
    %dma_wait3A_185 = arith.constant 0 : i32
    %dma_wait3A_186 = tpu.memref_slice %arg9[%dma_wait3A_184, %dma_wait3A_185] : memref<64x257xf32, #tpu.memory_space<vmem>> -> memref<64x256xf32, #tpu.memory_space<vmem>>
    tpu.wait_dma2 semaphore(%arg13 : memref<!tpu.dma_semaphore, #tpu.memory_space<semaphore_mem>>) src(%dma_wait3A_186 : memref<64x256xf32, #tpu.memory_space<vmem>>) dst(%dma_wait3A_183 : memref<64x256xf32, #tpu.memory_space<hbm>>)
    return
  }
}

</mosaic_0001>

<sc_bundles>
// kernel: kernel.3.cloned.1.call-start
scs
__scs_entry_jumppad:
0x0: {  	(pc) =	sbr.rel $0x88, $3  }
0x1: {  	(tag) =	ssettag $0x0;
	lr =	simm.s32 $0x1  }
0x2: {  	[smem:$0x3F9F] =	sst lr;
	_ =	strace $0xD0000000  }
0x3: {  	_ = 	snop  }
0x4: {  	_ = 	snop  }
0x5: {  	_ = 	snop  }
0x6: {  	_ = 	snop  }
0x7: {  	_ = 	snop  }
__scs_overlays_trampoline_lowered:
0x8: {  	[smem:$0x3FAE] =	sst s0  }
0x9: {  	[smem:$0x3FAF] =	sst s1  }
0xa: {  	[smem:$0x3FB0] =	sst s2  }
0xb: {  	[smem:$0x3FB1] =	sst s3  }
0xc: {  	[smem:$0x3FB2] =	sst s4  }
0xd: {  	[smem:$0x3FB3] =	sst s5  }
0xe: {  	[smem:$0x3FB4] =	sst s6  }
0xf: {  	[smem:$0x3FB5] =	sst s7  }
0x10: {  	[smem:$0x3FB6] =	sst s8  }
0x11: {  	[smem:$0x3FB7] =	sst s9;
	s0 =	simm.s32 @!p0 $0x0  }
0x12: {  	s1 =	sld [smem:$0x3F9D];
	s0 =	simm.s32 @p0 $0x1  }
0x13: {  	[smem:$0x3FB8] =	sst s0;
	s0 =	simm.s32 @!p1 $0x0  }
0x14: {  	s2 =	sld [smem:$0x3F9C];
	s0 =	simm.s32 @p1 $0x1  }
0x15: {  	[smem:$0x3FB9] =	sst s0;
	s0 =	simm.s32 @!p2 $0x0  }
0x16: {  	s3 =	sld [smem:$0x3FDB];
	s0 =	simm.s32 @p2 $0x1  }
0x17: {  	s4 =	simm.s32 $0x1BF5;
	[smem:$0x3FBB] =	sst s0  }
0x18: {  	s0 =	sld [smem:$0x3F9E];
	_ =	swait.ge [sflag:s4], $0x0  }
0x19: {  	s7 =	sld [smem:$0x3F9F]  }
0x1a: {  	s8 =	sadd.s32 $0xFFFFE003, lr  }
0x1b: {  	s9 =	sadd.s32 $0xFFFFFEF7, lr;
	s5 =	simm.s32 $0xFFFFFFFF;
	p2 =	slt.u32 s8, $0xFFFFF086  }
0x1c: {  	p1 =	slt.u32 s9, $0xF7A;
	s5 =	simm.s32 @!p2 $0x0  }
0x1d: {  	s5 =	simm.s32 @p1 $0x1;
	p0 =	seq.s32 s7, s2  }
0x1e: {  	s7 =	smul.u32 @!p0 $0xF7A, s2;
	p2 =	seq.s32 @!p0 s5, $0x0  }
0x1f: {  	s9 =	smul.u32 $0xF7A, s1;
	s8 =	simm.s32 @!p0 $0x1BF5;
	p2 =	por !p2, p0  }
0x20: {  	[sflag:s8] =	ssyncset.s32 @!p0 $0xFFFFF086;
	s6 =	sadd.s32 @!p0 s3, s7;
	s7 =	simm.s32 @!p0 $0x108  }
0x21: {  	s3 =	sadd.s32 s3, s9;
	s6 =	sadd.s32 @!p0 $0x88, s6;
	s7 =	simm.s32 @p2 $0x1082  }
0x22: {  	[simem:s7], [sflag:s8] =	dma.local @!p0 [hbm:s6], $0xF7A  }
0x23: {  	s9 =	sor.u32 $0xD0000000, s2;
	s6 =	simm.s32 $0x108;
	_ =	swait.ge @!p0 [sflag:s8], $0x0  }
0x24: {  	s3 =	sadd.s32 $0x88, s3;
	s6 =	simm.s32 @!p1 $0x1082;
	[sflag:s4] =	ssyncset.s32 $0xFFFFF086  }
0x25: {  	[simem:s6], [sflag:s4] =	dma.local [hbm:s3], $0xF7A  }
0x26: {  	[smem:$0x3F9F] =	sst s1;
	(tag) =	ssettag s2;
	_ =	strace s9  }
0x27: {  	s1 =	sld [smem:$0x3FAF]  }
0x28: {  	s2 =	sld [smem:$0x3FB0]  }
0x29: {  	s4 =	sld [smem:$0x3FB2]  }
0x2a: {  	p0 =	seq.s32 s5, $0x0;
	s5 =	sld [smem:$0x3FB3]  }
0x2b: {  	s6 =	sld [smem:$0x3FB4]  }
0x2c: {  	s7 =	sld [smem:$0x3FB5]  }
0x2d: {  	s3 =	simm.s32 $0x108;
	s8 =	sld [smem:$0x3FB6]  }
0x2e: {  	s3 =	simm.s32 @!p0 $0x1082;
	s9 =	sld [smem:$0x3FB7]  }
0x2f: {  	lr =	sadd.s32 s0, s3;
	s0 =	sld [smem:$0x3FAE]  }
0x30: {  	s3 =	sld [smem:$0x3FB1]  }
0x31: {  	[smem:$0x3FBA] =	sst s10  }
0x32: {  	s10 =	sld [smem:$0x3FB8];
	_ =	sdelay $0x3  }
0x33: {  	p0 =	seq.s32 s10, $0x1;
	s10 =	sld [smem:$0x3FBA];
	_ =	sdelay $0x3  }
0x34: {  	[smem:$0x3FBA] =	sst s10  }
0x35: {  	s10 =	sld [smem:$0x3FB9];
	_ =	sdelay $0x3  }
0x36: {  	p1 =	seq.s32 s10, $0x1;
	s10 =	sld [smem:$0x3FBA];
	_ =	sdelay $0x3  }
0x37: {  	[smem:$0x3FBA] =	sst s10  }
0x38: {  	s10 =	sld [smem:$0x3FBB]  }
0x39: {  	_ = 	snop;
	(pc) =	sbr.ind lr, $3  }
0x3a: {  	_ = 	snop  }
0x3b: {  	_ = 	snop  }
0x3c: {  	p2 =	seq.s32 s10, $0x1;
	s10 =	sld [smem:$0x3FBA]  }
0x3d: {  	_ =	shalt  }
0x3e: {  	_ =	shalt  }
0x3f: {  	_ =	shalt  }
0x40: {  	_ =	shalt  }
0x41: {  	_ =	shalt  }
0x42: {  	_ =	shalt  }
0x43: {  	_ =	shalt  }
0x44: {  	_ =	shalt  }
0x45: {  	_ =	shalt  }
0x46: {  	_ =	shalt  }
0x47: {  	_ =	shalt  }
0x48: {  	_ =	shalt  }
0x49: {  	_ =	shalt  }
0x4a: {  	_ =	shalt  }
0x4b: {  	_ =	shalt  }
0x4c: {  	_ =	shalt  }
0x4d: {  	_ =	shalt  }
0x4e: {  	_ =	shalt  }
0x4f: {  	_ =	shalt  }
0x50: {  	_ =	shalt  }
0x51: {  	_ =	shalt  }
0x52: {  	_ =	shalt  }
0x53: {  	_ =	shalt  }
0x54: {  	_ =	shalt  }
0x55: {  	_ =	shalt  }
0x56: {  	_ =	shalt  }
0x57: {  	_ =	shalt  }
0x58: {  	_ =	shalt  }
0x59: {  	_ =	shalt  }
0x5a: {  	_ =	shalt  }
0x5b: {  	_ =	shalt  }
0x5c: {  	_ =	shalt  }
0x5d: {  	_ =	shalt  }
0x5e: {  	_ =	shalt  }
0x5f: {  	_ =	shalt  }
0x60: {  	_ =	shalt  }
0x61: {  	_ =	shalt  }
0x62: {  	_ =	shalt  }
0x63: {  	_ =	shalt  }
0x64: {  	_ =	shalt  }
0x65: {  	_ =	shalt  }
0x66: {  	_ =	shalt  }
0x67: {  	_ =	shalt  }
0x68: {  	_ =	shalt  }
0x69: {  	_ =	shalt  }
0x6a: {  	_ =	shalt  }
0x6b: {  	_ =	shalt  }
0x6c: {  	_ =	shalt  }
0x6d: {  	_ =	shalt  }
0x6e: {  	_ =	shalt  }
0x6f: {  	_ =	shalt  }
0x70: {  	_ =	shalt  }
0x71: {  	_ =	shalt  }
0x72: {  	_ =	shalt  }
0x73: {  	_ =	shalt  }
0x74: {  	_ =	shalt  }
0x75: {  	_ =	shalt  }
0x76: {  	_ =	shalt  }
0x77: {  	_ =	shalt  }
0x78: {  	_ =	shalt  }
0x79: {  	_ =	shalt  }
0x7a: {  	_ =	shalt  }
0x7b: {  	_ =	shalt  }
0x7c: {  	_ =	shalt  }
0x7d: {  	_ =	shalt  }
0x7e: {  	_ =	shalt  }
0x7f: {  	_ =	shalt  }
0x80: {  	_ =	shalt  }
0x81: {  	_ =	shalt  }
0x82: {  	_ =	shalt  }
0x83: {  	_ =	shalt  }
0x84: {  	_ =	shalt  }
0x85: {  	_ =	shalt  }
0x86: {  	_ =	shalt  }
0x87: {  	_ =	shalt  }
.Lfunc_end0:
.L_simem_size_0:
called_computation_lowered:
.L_overlay_start_0:
0x88: {  	s2 =	sld [smem:$0x3FD9]  }
0x89: {  	s3 =	sld [smem:$0x3FFE];
	_ =	sdelay $0x1  }
0x8a: {  	s1 =	srdreg.scid  }
0x8b: {  	s0 =	sand.u32 $0x1, s1  }
0x8c: {  	s17 =	sshll.u32 s0, $0xA;
	s2 =	sadd.s32 s3, s2  }
0x8d: {  	s2 =	sadd.s32 s2, s17  }
0x8e: {  	[smem:$0x3FC6] =	sst s2  }
0x8f: {  	_ = 	snop  }
0x90: {  	s2 =	sld [smem:$0x3FD0];
	(tm) =	ssettm $0x1  }
0x91: {  	s18 =	sld [smem:$0x3FFB];
	_ =	sdelay $0x3  }
0x92: {  	_ =	strace s18  }
0x93: {  	s3 =	sld [smem:$0x3FFC];
	_ =	sdelay $0x3  }
0x94: {  	_ =	strace s3  }
0x95: {  	s3 =	sld [smem:$0x3FFD];
	_ =	sdelay $0x3  }
0x96: {  	_ =	strace s3  }
0x97: {  	_ =	strace $0x8FFFFFFF  }
0x98: {  	s19 =	sld [smem:$0x3FDB];
	_ =	sdelay $0x1  }
0x99: {  	s4 =	simm.s32 $_scs_section_size  }
0x9a: {  	s5 =	simm.s32 $_size__tile_overlayer_lowered;
	s6 =	simm.s32 $_tile_overlayer_lowered  }
0x9b: {  	s22 =	simm.s32 $0x1BFF;
	s21 =	sshll.u32 s6, $0x1;
	s3 =	sadd.s32 s4, s19  }
0x9c: {  	s7 =	simm.s32 $0x0;
	s20 =	sshll.u32 s5, $0x1;
	s5 =	sadd.s32 s21, s3  }
0x9d: {  	[timem:s7], [sflag:s22] =	dma.local [hbm:s5], s20  }
0x9e: {  	_ =	swait.ge [sflag:s22], s20  }
0x9f: {  	s4 =	ssub.s32 $0x0, s20;
	[sflag:s22] =	ssyncset.done $0x0  }
0xa0: {  	[sflag:s22] =	ssyncadd.s32 s4;
	_ =	sdelay $0x1  }
0xa1: {  	s23 =	simm.s32 $0x1B8B  }
0xa2: {  	_ =	swait.ge [sflag:s23], $0x1  }
0xa3: {  	[sflag:s23] =	ssyncset.done $0x0  }
0xa4: {  	s25 =	simm.s32 $0x1B8E;
	s24 =	sld [smem:$0x3FFE];
	[sflag:s23] =	ssyncadd.s32 $0xFFFFFFFF  }
0xa5: {  	s26 =	simm.s32 $execute0_lowered;
	[smem:$0x3FD2] =	sst s25  }
0xa6: {  	s5 =	sshll.u32 s26, $0x1;
	_ =	strace $0x80000046;
	[dreg:$0x1] =	wrdreg $0xFFFFFFFF  }
0xa7: {  	s28 =	simm.s32 $_size_execute0_lowered;
	s3 =	sadd.s32 s3, s5;
	[dreg:$0x0] =	wrdreg $0x0  }
0xa8: {  	s5 =	sshll.u32 s28, $0x1;
	[dreg:$0x2] =	wrdreg s3  }
0xa9: {  	[dreg:$0x3] =	wrdreg s5  }
0xaa: {  	[dreg:$0x4] =	wrdreg $0xC0  }
0xab: {  	_ =	task [dreg:s7], $0x5FFFF  }
0xac: {  	[dreg:$0x1] =	wrdreg $0xFFFFFFFF  }
0xad: {  	[dreg:$0x0] =	wrdreg $0x60  }
0xae: {  	[dreg:$0x2] =	wrdreg s2  }
0xaf: {  	[dreg:$0x3] =	wrdreg s24  }
0xb0: {  	[dreg:$0x4] =	wrdreg $0x9  }
0xb1: {  	_ =	task.clear_ibuf [dreg:s7], $0x5FFFF;
	_ =	strace $0x90000046  }
0xb2: {  	s29 =	simm.s32 $0x9;
	_ =	strace $0x80000048  }
0xb3: {  	_ =	swait.ge [sflag:s29], $0x1  }
0xb4: {  	[sflag:s29] =	ssyncadd.s32 $0xFFFFFFFF  }
0xb5: {  	_ =	strace $0x90000048  }
0xb6: {  	_ =	sfence  }
0xb7: {  	s30 =	sld [smem:$0x0];
	_ =	sdelay $0x2  }
0xb8: {  	s31 =	sshll.u32 s1, $0xD;
	s1 =	sshrl.u32 s1, $0x2  }
0xb9: {  	s3 =	sand.u32 $0x4000, s31;
	s1 =	sadd.s32 s1, s30  }
0xba: {  	s0 =	sor.u32 s3, s0;
	s1 =	sshll.u32 s1, $0x11  }
0xbb: {  	s0 =	sor.u32 s1, s0  }
0xbc: {  	s0 =	sadd.s32 $0x8F2B, s0  }
0xbd: {  	[sflag:s0] =	ssyncadd.remote.s32 $0x1  }
0xbe: {  	_ =	sfence.sel $0xFFFF  }
0xbf: {  	[dreg:$0x0] =	wrdreg $0xFFFFFFFF;
	(pc) =	sbr.abs _section_cstart, $3  }
0xc0: {  	[dreg:$0x1] =	wrdreg $0xFFFFFFFF  }
0xc1: {  	_ =	task.clear_ibuf [dreg:s7], $0x2FFFF;
	_ =	strace $0x9FFFFFFF  }
0xc2: {  	(tm) =	ssettm $0x7FFFFFFF  }
0xc3: {  	_ =	shalt  }
tec
execute0_lowered:
.L_overlay_start_1:
0x0: {  	(tag) =	ssettag $0x1  }
0x1: {  	s5 =	rddreg [dreg:$0x0]  }
0x2: {  	s4 =	rddreg [dreg:$0x1]  }
0x3: {  	s0 =	rddreg [dreg:$0x2]  }
0x4: {  	s3 =	srdreg.scid;
	s1 =	stileid.u32;
	s2 =	simm.s32 $0x0  }
0x5: {  	s10 =	simm.s32 $0x6400;
	s11 =	simm.s32 $0x8400;
	s12 =	simm.s32 $0x100  }
0x6: {  	s13 =	simm.s32 $0xA400;
	s14 =	simm.s32 $0x180;
	s15 =	simm.s32 $0xC400  }
0x7: {  	s16 =	simm.s32 $0x1;
	s17 =	simm.s32 $0xE400;
	s18 =	simm.s32 $0x2  }
0x8: {  	s19 =	simm.s32 $0x12600;
	s20 =	simm.s32 $0x3;
	s21 =	simm.s32 $0x4  }
0x9: {  	s22 =	simm.s32 $0x0;
	s3 =	sand.u32 $0x1, s3;
	s6 =	sshll.u32 s1, $0x1  }
.Ltmp0:
0xa: {  	[smem:$0x7FF] =	sst s2;
	s7 =	ssub.s32 $0x2, s3;
	(pc) =	sbr.rel .LBB2_1-.Ltmp0, $4  }
0xb: {  	v0 =	vlaneseq.u32;
	s6 =	sor.u32 s3, s6;
	_ =	strace $0x80000047;
	s3 =	sadd.s32 $0xF42A00, s4  }
0xc: {  	v0 =	vmul.u32 $0x108, v0;
	s4 =	sadd.s32 $0x600, s4;
	s8 =	sshrl.u32 s7, $0x1;
	s9 =	smul.u32 $0xC80, s6  }
0xd: {  	s6 =	smul.u32 $0x64, s6;
	s7 =	ssub.s32 s7, s8;
	s8 =	simm.s32 $0x5  }
0xe: {  	v1 =	vadd.s32 $0x1080, v0;
	v2 =	vadd.s32 $0x2100, v0;
	v3 =	vadd.s32 $0x3180, v0;
	s5 =	sadd.s32 s5, s9;
	s7 =	smax.u32 s7, $0x1;
	s9 =	simm.s32 $0x80  }
.LBB2_12:
0xf: {  	s22 =	sadd.s32 $0x1, s22  }
0x10: {  	_ =	swait.ge [sflag:s20], $0x4000;
	p0 =	sne.s32 s22, s7  }
.Ltmp1:
0x11: {  	[sflag:s20] =	ssyncset.done $0x0;
	(pc) =	sbr.rel @!p0 .LBB2_13-.Ltmp1, $4  }
0x12: {  	[sflag:s20] =	ssyncadd.s32 $0xFFFFC000  }
0x13: {  	_ =	swait.ge [sflag:s21], $0x4000  }
0x14: {  	[sflag:s21] =	ssyncset.done $0x0  }
0x15: {  	[sflag:s21] =	ssyncadd.s32 $0xFFFFC000  }
.LBB2_1:
0x16: {  	[tilespmem:s2], [sflag:$0x5] =	stream.linear.gather [hbm4b:s5+s2], $0x6400, $0x38;
	[tilespmem:$0x16800] =	vst v63  }
0x17: {  	_ =	swait.ge [sflag:s8], $0x6400  }
0x18: {  	[sflag:s8] =	ssyncset.done $0x0  }
0x19: {  	[sflag:s8] =	ssyncadd.s32 $0xFFFF9C00  }
0x1a: {  	[tilespmem:s10], [sflag:$0x1] =	stream.indirect.gather [hbm4b:s3+s9], $0x40, s2, s9, $0xb8;
	[tilespmem:$0x16800] =	vst v63  }
0x1b: {  	_ = 	snop  }
0x1c: {  	[tilespmem:s11], [sflag:$0x1] =	stream.indirect.gather [hbm4b:s3+s9], $0x40, s9, s9, $0xb8;
	[tilespmem:$0x16800] =	vst v63  }
0x1d: {  	_ = 	snop  }
0x1e: {  	[tilespmem:s13], [sflag:$0x2] =	stream.indirect.gather [hbm4b:s3+s9], $0x40, s12, s9, $0xb8;
	[tilespmem:$0x16800] =	vst v63  }
0x1f: {  	s23 =	simm.s32 $0x0  }
0x20: {  	[tilespmem:s15], [sflag:$0x2] =	stream.indirect.gather [hbm4b:s3+s9], $0x40, s14, s9, $0xb8;
	[tilespmem:$0x16800] =	vst v63  }
.LBB2_2:
0x21: {  	_ =	swait.ge [sflag:s16], $0x4000  }
0x22: {  	p0 =	seq.s32 s23, $0x0;
	[sflag:s16] =	ssyncset.done $0x0  }
0x23: {  	s24 =	simm.s32 @!p0 $0x3;
	[sflag:s16] =	ssyncadd.s32 $0xFFFFC000  }
0x24: {  	s25 =	simm.s32 $0x3;
	_ =	swait.ge @!p0 [sflag:s24], $0x4000  }
0x25: {  	s31 =	simm.s32 $0x0;
	v4 =	vmov s25;
	[sflag:s24] =	ssyncset.done @!p0 $0x0  }
0x26: {  	s26 =	simm.s32 $0x6480;
	s25 =	simm.s32 $0x1;
	v5 =	vand.u32 $0xFF, v4;
	v4 =	vmov s31;
	[sflag:s24] =	ssyncadd.s32 @!p0 $0xFFFFC000  }
0x27: {  	v8 =	vadd.s32 v0, v5;
	v6 =	vand.u32 $0xFC, v4;
	v4 =	vmov s25;
	v7 =	vld [tilespmem:s26+$0x40]  }
0x28: {  	v10 =	vadd.s32 v0, v6;
	v11 =	vand.u32 $0xFD, v4;
	v9 =	vld [tilespmem:s26+$0xFFFFFF80]  }
0x29: {  	s31 =	simm.s32 $0x2;
	v12 =	vadd.s32 v0, v11;
	v4 =	vld [tilespmem:s26+$0xFFFFFFC0]  }
0x2a: {  	v13 =	vmov s31  }
0x2b: {  	v13 =	vand.u32 $0xFE, v13  }
0x2c: {  	v15 =	vadd.s32 v0, v13;
	v14 =	vld [tilespmem:s26+$0x0];
	[tilespmem:v8+s17+$0x0] =	vst.idx.msk $0xffff, v7  }
0x2d: {  	v8 =	vadd.s32 v1, v5;
	[tilespmem:v10+s17+$0x0] =	vst.idx.msk $0xffff, v9;
	v7 =	vld [tilespmem:s26+$0x50]  }
0x2e: {  	v10 =	vadd.s32 v1, v6;
	[tilespmem:v12+s17+$0x0] =	vst.idx.msk $0xffff, v4;
	v9 =	vld [tilespmem:s26+$0xFFFFFF90]  }
0x2f: {  	v12 =	vadd.s32 v1, v11;
	v4 =	vld [tilespmem:s26+$0xFFFFFFD0];
	_ =	sdelay $0x1  }
0x30: {  	[tilespmem:v15+s17+$0x0] =	vst.idx.msk $0xffff, v14  }
0x31: {  	v16 =	vadd.s32 v1, v13;
	v15 =	vld [tilespmem:s26+$0x10];
	[tilespmem:v8+s17+$0x0] =	vst.idx.msk $0xffff, v7  }
0x32: {  	s25 =	simm.s32 $0x7;
	v14 =	vadd.s32 v2, v5;
	[tilespmem:v10+s17+$0x0] =	vst.idx.msk $0xffff, v9;
	v7 =	vld [tilespmem:s26+$0x60]  }
0x33: {  	v10 =	vadd.s32 v2, v6;
	v8 =	vmov s25;
	[tilespmem:v12+s17+$0x0] =	vst.idx.msk $0xffff, v4;
	v9 =	vld [tilespmem:s26+$0xFFFFFFA0]  }
0x34: {  	v17 =	vadd.s32 v2, v11;
	s25 =	simm.s32 $0x6580;
	v8 =	vand.u32 $0xFF, v8;
	v12 =	vld [tilespmem:s26+$0xFFFFFFE0]  }
0x35: {  	s31 =	simm.s32 $0x4;
	v18 =	vld [tilespmem:s25+$0x40];
	v19 =	vadd.s32 v0, v8  }
0x36: {  	v4 =	vmov s31;
	s31 =	simm.s32 $0x5;
	[tilespmem:v16+s17+$0x0] =	vst.idx.msk $0xffff, v15  }
0x37: {  	v4 =	vand.u32 $0xFC, v4;
	v22 =	vmov s31;
	[tilespmem:v14+s17+$0x0] =	vst.idx.msk $0xffff, v7  }
0x38: {  	v20 =	vld [tilespmem:s25+$0xFFFFFF80];
	s31 =	simm.s32 $0x6;
	v21 =	vadd.s32 v0, v4;
	v7 =	vand.u32 $0xFD, v22;
	[tilespmem:v10+s17+$0x0] =	vst.idx.msk $0xffff, v9  }
0x39: {  	v14 =	vmov s31;
	v9 =	vld [tilespmem:s25+$0xFFFFFFC0];
	[tilespmem:v17+s17+$0x0] =	vst.idx.msk $0xffff, v12;
	v10 =	vadd.s32 v0, v7  }
0x3a: {  	v16 =	vadd.s32 v3, v5;
	v12 =	vld [tilespmem:s26+$0x20];
	v5 =	vand.u32 $0xFE, v14;
	[tilespmem:v19+s17+$0x0] =	vst.idx.msk $0xffff, v18;
	v18 =	vadd.s32 v2, v13  }
0x3b: {  	v14 =	vld [tilespmem:s25+$0x0];
	v63 =	vadd.s32 v0, v5  }
0x3c: {  	v15 =	vld [tilespmem:s26+$0x70]  }
0x3d: {  	[tilespmem:v21+s17+$0x0] =	vst.idx.msk $0xffff, v20;
	v20 =	vadd.s32 v1, v8;
	v19 =	vld [tilespmem:s25+$0x50]  }
0x3e: {  	v23 =	vadd.s32 v1, v4;
	v21 =	vld [tilespmem:s25+$0xFFFFFF90];
	[tilespmem:v10+s17+$0x0] =	vst.idx.msk $0xffff, v9  }
0x3f: {  	v25 =	vadd.s32 v3, v11;
	v24 =	vld [tilespmem:s26+$0xFFFFFFF0];
	[tilespmem:v18+s17+$0x0] =	vst.idx.msk $0xffff, v12  }
0x40: {  	v18 =	vadd.s32 v1, v7;
	v17 =	vld [tilespmem:s25+$0xFFFFFFD0];
	[tilespmem:v63+s17+$0x0] =	vst.idx.msk $0xffff, v14  }
0x41: {  	[tilespmem:v16+s17+$0x0] =	vst.idx.msk $0xffff, v15;
	v16 =	vadd.s32 v1, v5;
	v14 =	vld [tilespmem:s25+$0x10]  }
0x42: {  	v15 =	vadd.s32 v3, v13;
	[tilespmem:v20+s17+$0x0] =	vst.idx.msk $0xffff, v19;
	v10 =	vld [tilespmem:s26+$0x30]  }
0x43: {  	s28 =	simm.s32 $0x8;
	v12 =	vadd.s32 v2, v8;
	[tilespmem:v23+s17+$0x0] =	vst.idx.msk $0xffff, v21;
	v9 =	vld [tilespmem:s25+$0x60]  }
0x44: {  	s30 =	simm.s32 $0xB;
	s29 =	simm.s32 $0xC;
	s24 =	sshll.u32 s23, $0x1;
	v13 =	vadd.s32 v2, v4;
	[tilespmem:v25+s17+$0x0] =	vst.idx.msk $0xffff, v24;
	v11 =	vld [tilespmem:s25+$0xFFFFFFA0]  }
.LBB2_3:
0x45: {  	p1 =	slt.u32 s29, $0xFC;
	v19 =	vmov s30;
	[tilespmem:v18+s17+$0x0] =	vst.idx.msk $0xffff, v17;
	v17 =	vld [tilespmem:s26+$0xFFFFFFB0];
	v18 =	vadd.s32 v3, v6;
	v6 =	vmov v4;
	s26 =	smov.u32 s25  }
0x46: {  	v4 =	vmov s28;
	v21 =	vadd.s32 v2, v7;
	s25 =	sadd.s32 $0x100, s25;
	v19 =	vand.u32 $0xFF, v19;
	v20 =	vld [tilespmem:s26+$0xFFFFFFE0];
	[tilespmem:v16+s17+$0x0] =	vst.idx.msk $0xffff, v14  }
0x47: {  	s30 =	sadd.s32 $0x1, s28;
	v4 =	vand.u32 $0xFC, v4;
	v14 =	vld [tilespmem:s25+$0x40];
	v16 =	vadd.s32 v0, v19;
	[tilespmem:v15+s17+$0x0] =	vst.idx.msk $0xffff, v10  }
0x48: {  	v22 =	vmov s30;
	s30 =	sadd.s32 $0x2, s28;
	s28 =	smov.u32 s29;
	v15 =	vadd.s32 v0, v4;
	v10 =	vld [tilespmem:s25+$0xFFFFFF80];
	[tilespmem:v12+s17+$0x0] =	vst.idx.msk $0xffff, v9  }
0x49: {  	v9 =	vand.u32 $0xFD, v22;
	v12 =	vmov s30;
	[tilespmem:v13+s17+$0x0] =	vst.idx.msk $0xffff, v11;
	v11 =	vld [tilespmem:s26+$0x70];
	v13 =	vadd.s32 v3, v8;
	v8 =	vmovc v19  }
0x4a: {  	v22 =	vadd.s32 v0, v9;
	v12 =	vand.u32 $0xFE, v12;
	v19 =	vld [tilespmem:s25+$0xFFFFFFC0];
	[tilespmem:v18+s17+$0x0] =	vst.idx.msk $0xffff, v17  }
0x4b: {  	v24 =	vadd.s32 v0, v12;
	v23 =	vld [tilespmem:s25+$0x0];
	[tilespmem:v21+s17+$0x0] =	vst.idx.msk $0xffff, v20  }
0x4c: {  	v21 =	vadd.s32 v2, v5;
	[tilespmem:v16+s17+$0x0] =	vst.idx.msk $0xffff, v14;
	v20 =	vld [tilespmem:s26+$0x20]  }
0x4d: {  	[tilespmem:v15+s17+$0x0] =	vst.idx.msk $0xffff, v10;
	v10 =	vld [tilespmem:s25+$0x50];
	v15 =	vadd.s32 v1, v8  }
0x4e: {  	v26 =	vadd.s32 v1, v4;
	v25 =	vld [tilespmem:s25+$0xFFFFFF90];
	[tilespmem:v13+s17+$0x0] =	vst.idx.msk $0xffff, v11  }
0x4f: {  	[tilespmem:v22+s17+$0x0] =	vst.idx.msk $0xffff, v19;
	v19 =	vld [tilespmem:s26+$0xFFFFFFF0];
	v22 =	vadd.s32 v3, v7;
	v7 =	vmov v9  }
.Ltmp2:
0x50: {  	v17 =	vld [tilespmem:s25+$0xFFFFFFD0];
	v18 =	vadd.s32 v1, v7;
	[tilespmem:v24+s17+$0x0] =	vst.idx.msk $0xffff, v23;
	(pc) =	sbr.rel @p1 .LBB2_3-.Ltmp2, $4  }
0x51: {  	v16 =	vadd.s32 v1, v12;
	v14 =	vld [tilespmem:s25+$0x10];
	[tilespmem:v21+s17+$0x0] =	vst.idx.msk $0xffff, v20  }
0x52: {  	[tilespmem:v15+s17+$0x0] =	vst.idx.msk $0xffff, v10;
	v10 =	vld [tilespmem:s26+$0x30];
	v15 =	vadd.s32 v3, v5;
	v5 =	vmov v12  }
0x53: {  	v12 =	vadd.s32 v2, v8;
	[tilespmem:v26+s17+$0x0] =	vst.idx.msk $0xffff, v25;
	v9 =	vld [tilespmem:s25+$0x60]  }
0x54: {  	s29 =	sadd.s32 $0x4, s29;
	s30 =	sadd.s32 $0x3, s28;
	v13 =	vadd.s32 v2, v4;
	v11 =	vld [tilespmem:s25+$0xFFFFFFA0];
	[tilespmem:v22+s17+$0x0] =	vst.idx.msk $0xffff, v19  }
0x55: {  	_ =	sdelay $0x2  }
0x56: {  	v19 =	vmov s30  }
0x57: {  	s29 =	sadd.s32 $0x1, s28;
	[tilespmem:v18+s17+$0x0] =	vst.idx.msk $0xffff, v17;
	v30 =	vld [tilespmem:s26+$0xFFFFFFB0];
	v6 =	vadd.s32 v3, v6;
	s30 =	sadd.s32 $0x100, s25;
	v21 =	vmov s28;
	v31 =	vand.u32 $0xFF, v19  }
0x58: {  	s31 =	sadd.s32 $0x2, s28;
	v32 =	vmov s29;
	[tilespmem:v16+s17+$0x0] =	vst.idx.msk $0xffff, v14;
	v33 =	vld [tilespmem:s30+$0x40];
	v21 =	vand.u32 $0xFC, v21;
	v34 =	vadd.s32 v0, v31  }
0x59: {  	v20 =	vmov s31;
	v22 =	vld [tilespmem:s30+$0xFFFFFF80];
	v19 =	vand.u32 $0xFD, v32;
	[tilespmem:v15+s17+$0x0] =	vst.idx.msk $0xffff, v10;
	v39 =	vadd.s32 v0, v21  }
0x5a: {  	v35 =	vld [tilespmem:s30+$0xFFFFFFC0];
	v20 =	vand.u32 $0xFE, v20;
	v36 =	vadd.s32 v0, v19;
	[tilespmem:v12+s17+$0x0] =	vst.idx.msk $0xffff, v9  }
0x5b: {  	v37 =	vld [tilespmem:s30+$0x0];
	v38 =	vadd.s32 v0, v20;
	[tilespmem:v13+s17+$0x0] =	vst.idx.msk $0xffff, v11  }
0x5c: {  	v41 =	vadd.s32 v2, v7;
	v40 =	vld [tilespmem:s25+$0xFFFFFFE0];
	[tilespmem:v6+s17+$0x0] =	vst.idx.msk $0xffff, v30  }
0x5d: {  	v49 =	vadd.s32 v2, v5;
	v48 =	vld [tilespmem:s25+$0x20];
	[tilespmem:v34+s17+$0x0] =	vst.idx.msk $0xffff, v33  }
0x5e: {  	v43 =	vadd.s32 v1, v31;
	[tilespmem:v39+s17+$0x0] =	vst.idx.msk $0xffff, v22;
	v14 =	vld [tilespmem:s30+$0x50]  }
0x5f: {  	v47 =	vadd.s32 v1, v21;
	[tilespmem:v36+s17+$0x0] =	vst.idx.msk $0xffff, v35;
	v46 =	vld [tilespmem:s30+$0xFFFFFF90]  }
0x60: {  	v44 =	vadd.s32 v1, v19;
	[tilespmem:v38+s17+$0x0] =	vst.idx.msk $0xffff, v37;
	v10 =	vld [tilespmem:s30+$0xFFFFFFD0]  }
0x61: {  	v45 =	vadd.s32 v1, v20;
	[tilespmem:v41+s17+$0x0] =	vst.idx.msk $0xffff, v40;
	v9 =	vld [tilespmem:s30+$0x10]  }
0x62: {  	v8 =	vadd.s32 v3, v8;
	v42 =	vld [tilespmem:s25+$0x70];
	[tilespmem:v49+s17+$0x0] =	vst.idx.msk $0xffff, v48  }
0x63: {  	v5 =	vadd.s32 v3, v5;
	v13 =	vld [tilespmem:s25+$0x30];
	[tilespmem:v43+s17+$0x0] =	vst.idx.msk $0xffff, v14  }
0x64: {  	v52 =	vadd.s32 v2, v31;
	[tilespmem:v47+s17+$0x0] =	vst.idx.msk $0xffff, v46;
	v14 =	vld [tilespmem:s30+$0x60]  }
0x65: {  	v57 =	vadd.s32 v2, v21;
	[tilespmem:v44+s17+$0x0] =	vst.idx.msk $0xffff, v10;
	v56 =	vld [tilespmem:s30+$0xFFFFFFA0]  }
0x66: {  	v53 =	vadd.s32 v2, v19;
	[tilespmem:v45+s17+$0x0] =	vst.idx.msk $0xffff, v9;
	v10 =	vld [tilespmem:s30+$0xFFFFFFE0]  }
0x67: {  	v55 =	vadd.s32 v2, v20;
	[tilespmem:v8+s17+$0x0] =	vst.idx.msk $0xffff, v42;
	v54 =	vld [tilespmem:s30+$0x20]  }
0x68: {  	v4 =	vadd.s32 v3, v4;
	v58 =	vld [tilespmem:s25+$0xFFFFFFB0];
	[tilespmem:v5+s17+$0x0] =	vst.idx.msk $0xffff, v13  }
0x69: {  	v51 =	vadd.s32 v3, v7;
	v50 =	vld [tilespmem:s25+$0xFFFFFFF0];
	[tilespmem:v52+s17+$0x0] =	vst.idx.msk $0xffff, v14  }
0x6a: {  	v60 =	vadd.s32 v3, v31;
	[tilespmem:v57+s17+$0x0] =	vst.idx.msk $0xffff, v56;
	v59 =	vld [tilespmem:s30+$0x70]  }
0x6b: {  	v63 =	vadd.s32 v3, v21;
	[tilespmem:v53+s17+$0x0] =	vst.idx.msk $0xffff, v10;
	v5 =	vld [tilespmem:s30+$0xFFFFFFB0]  }
0x6c: {  	v61 =	vadd.s32 v3, v19;
	[tilespmem:v55+s17+$0x0] =	vst.idx.msk $0xffff, v54;
	v10 =	vld [tilespmem:s30+$0xFFFFFFF0]  }
0x6d: {  	v62 =	vadd.s32 v3, v20;
	[tilespmem:v4+s17+$0x0] =	vst.idx.msk $0xffff, v58;
	v6 =	vld [tilespmem:s30+$0x30]  }
0x6e: {  	s29 =	sadd.s32 s6, s24;
	[tilespmem:v51+s17+$0x0] =	vst.idx.msk $0xffff, v50  }
0x6f: {  	s30 =	sshll.u32 s29, $0x5;
	[tilespmem:v60+s17+$0x0] =	vst.idx.msk $0xffff, v59  }
0x70: {  	s25 =	sshll.u32 s29, $0xB;
	s26 =	sand.u32 $0x7C0, s30;
	[tilespmem:v63+s17+$0x0] =	vst.idx.msk $0xffff, v5  }
0x71: {  	s25 =	sand.u32 $0xFFE0000, s25;
	s26 =	sadd.s32 s4, s26;
	[tilespmem:v61+s17+$0x0] =	vst.idx.msk $0xffff, v10  }
0x72: {  	s31 =	simm.s32 $0xE400;
	s25 =	sadd.s32 s25, s26;
	s26 =	simm.s32 $0x420;
	[tilespmem:v62+s17+$0x0] =	vst.idx.msk $0xffff, v6  }
0x73: {  	[hbm4b:s25+s2] =	stream.linear.scatter [tilespmem:s31], [sflag:$0x3], $0x100, $0x38;
	[tilespmem:$0x16800] =	vst v63  }
.LBB2_5:
0x74: {  	p1 =	sne.s32 s26, $0x103E0  }
.Ltmp3:
0x75: {  	_ = 	snop;
	(pc) =	sbr.rel @p1 .LBB2_5-.Ltmp3, $4  }
0x76: {  	_ = 	snop  }
0x77: {  	s28 =	sshra.s32 s26, $0x2;
	s26 =	sadd.s32 $0x420, s26  }
0x78: {  	s25 =	sadd.s32 $0x800, s25;
	s28 =	sadd.s32 $0xE400, s28  }
0x79: {  	[hbm4b:s25+s2] =	stream.linear.scatter [tilespmem:s28], [sflag:$0x3], $0x100, $0x38;
	[tilespmem:$0x16800] =	vst v63  }
0x7a: {  	p1 =	seq.s32 s23, $0x31  }
0x7b: {  	s25 =	sshll.u32 @!p1 s23, $0x9  }
0x7c: {  	s25 =	sand.u32 @!p1 $0x3FFFFE00, s25  }
0x7d: {  	s28 =	simm.s32 @!p1 $0x80;
	s29 =	simm.s32 @!p1 $0x6400;
	s26 =	sadd.s32 @!p1 $0x200, s25  }
0x7e: {  	[tilespmem:s29], [sflag:$0x1] =	stream.indirect.gather @!p1 [hbm4b:s3+s28], $0x40, s26, s28, $0xb8;
	[tilespmem:$0x16800] =	vst v63  }
0x7f: {  	s25 =	sadd.s32 @!p1 $0x280, s25;
	s26 =	simm.s32 @!p1 $0x8400  }
0x80: {  	[tilespmem:s26], [sflag:$0x1] =	stream.indirect.gather @!p1 [hbm4b:s3+s28], $0x40, s25, s28, $0xb8;
	[tilespmem:$0x16800] =	vst v63  }
0x81: {  	_ =	swait.ge [sflag:s18], $0x4000  }
0x82: {  	[sflag:s18] =	ssyncset.done $0x0  }
0x83: {  	s25 =	simm.s32 @!p0 $0x4;
	[sflag:s18] =	ssyncadd.s32 $0xFFFFC000  }
0x84: {  	s31 =	simm.s32 $0x3;
	_ =	swait.ge @!p0 [sflag:s25], $0x4000  }
0x85: {  	v4 =	vmov s31;
	s31 =	simm.s32 $0x0;
	[sflag:s25] =	ssyncset.done @!p0 $0x0  }
0x86: {  	v5 =	vand.u32 $0xFF, v4;
	v4 =	vmov s31;
	s31 =	simm.s32 $0x1;
	s26 =	simm.s32 $0xA480;
	[sflag:s25] =	ssyncadd.s32 @!p0 $0xFFFFC000  }
0x87: {  	v8 =	vadd.s32 v0, v5;
	v6 =	vand.u32 $0xFC, v4;
	v4 =	vmov s31;
	v7 =	vld [tilespmem:s26+$0x40]  }
0x88: {  	v10 =	vadd.s32 v0, v6;
	v11 =	vand.u32 $0xFD, v4;
	v9 =	vld [tilespmem:s26+$0xFFFFFF80]  }
0x89: {  	s31 =	simm.s32 $0x2;
	v12 =	vadd.s32 v0, v11;
	v4 =	vld [tilespmem:s26+$0xFFFFFFC0]  }
0x8a: {  	v13 =	vmov s31  }
0x8b: {  	v13 =	vand.u32 $0xFE, v13  }
0x8c: {  	v15 =	vadd.s32 v0, v13;
	v14 =	vld [tilespmem:s26+$0x0];
	[tilespmem:v8+s19+$0x0] =	vst.idx.msk $0xffff, v7  }
0x8d: {  	v8 =	vadd.s32 v1, v5;
	[tilespmem:v10+s19+$0x0] =	vst.idx.msk $0xffff, v9;
	v7 =	vld [tilespmem:s26+$0x50]  }
0x8e: {  	v10 =	vadd.s32 v1, v6;
	[tilespmem:v12+s19+$0x0] =	vst.idx.msk $0xffff, v4;
	v9 =	vld [tilespmem:s26+$0xFFFFFF90]  }
0x8f: {  	v12 =	vadd.s32 v1, v11;
	v4 =	vld [tilespmem:s26+$0xFFFFFFD0];
	_ =	sdelay $0x1  }
0x90: {  	[tilespmem:v15+s19+$0x0] =	vst.idx.msk $0xffff, v14  }
0x91: {  	v16 =	vadd.s32 v1, v13;
	v15 =	vld [tilespmem:s26+$0x10];
	[tilespmem:v8+s19+$0x0] =	vst.idx.msk $0xffff, v7  }
0x92: {  	s31 =	simm.s32 $0x7;
	v14 =	vadd.s32 v2, v5;
	[tilespmem:v10+s19+$0x0] =	vst.idx.msk $0xffff, v9;
	v7 =	vld [tilespmem:s26+$0x60]  }
0x93: {  	v10 =	vadd.s32 v2, v6;
	v8 =	vmov s31;
	[tilespmem:v12+s19+$0x0] =	vst.idx.msk $0xffff, v4;
	v9 =	vld [tilespmem:s26+$0xFFFFFFA0]  }
0x94: {  	v17 =	vadd.s32 v2, v11;
	s25 =	simm.s32 $0xA580;
	v8 =	vand.u32 $0xFF, v8;
	v12 =	vld [tilespmem:s26+$0xFFFFFFE0]  }
0x95: {  	s28 =	simm.s32 $0x4;
	v18 =	vld [tilespmem:s25+$0x40];
	v19 =	vadd.s32 v0, v8  }
0x96: {  	v4 =	vmov s28;
	s28 =	simm.s32 $0x5;
	[tilespmem:v16+s19+$0x0] =	vst.idx.msk $0xffff, v15  }
0x97: {  	v4 =	vand.u32 $0xFC, v4;
	v22 =	vmov s28;
	[tilespmem:v14+s19+$0x0] =	vst.idx.msk $0xffff, v7  }
0x98: {  	v20 =	vld [tilespmem:s25+$0xFFFFFF80];
	s28 =	simm.s32 $0x6;
	v21 =	vadd.s32 v0, v4;
	v7 =	vand.u32 $0xFD, v22;
	[tilespmem:v10+s19+$0x0] =	vst.idx.msk $0xffff, v9  }
0x99: {  	v14 =	vmov s28;
	v9 =	vld [tilespmem:s25+$0xFFFFFFC0];
	[tilespmem:v17+s19+$0x0] =	vst.idx.msk $0xffff, v12;
	v10 =	vadd.s32 v0, v7  }
0x9a: {  	v16 =	vadd.s32 v3, v5;
	v12 =	vld [tilespmem:s26+$0x20];
	v5 =	vand.u32 $0xFE, v14;
	[tilespmem:v19+s19+$0x0] =	vst.idx.msk $0xffff, v18;
	v18 =	vadd.s32 v2, v13  }
0x9b: {  	v14 =	vld [tilespmem:s25+$0x0];
	v63 =	vadd.s32 v0, v5  }
0x9c: {  	v15 =	vld [tilespmem:s26+$0x70]  }
0x9d: {  	[tilespmem:v21+s19+$0x0] =	vst.idx.msk $0xffff, v20;
	v20 =	vadd.s32 v1, v8;
	v19 =	vld [tilespmem:s25+$0x50]  }
0x9e: {  	v23 =	vadd.s32 v1, v4;
	v21 =	vld [tilespmem:s25+$0xFFFFFF90];
	[tilespmem:v10+s19+$0x0] =	vst.idx.msk $0xffff, v9  }
0x9f: {  	v25 =	vadd.s32 v3, v11;
	v24 =	vld [tilespmem:s26+$0xFFFFFFF0];
	[tilespmem:v18+s19+$0x0] =	vst.idx.msk $0xffff, v12  }
0xa0: {  	v18 =	vadd.s32 v1, v7;
	v17 =	vld [tilespmem:s25+$0xFFFFFFD0];
	[tilespmem:v63+s19+$0x0] =	vst.idx.msk $0xffff, v14  }
0xa1: {  	[tilespmem:v16+s19+$0x0] =	vst.idx.msk $0xffff, v15;
	v16 =	vadd.s32 v1, v5;
	v14 =	vld [tilespmem:s25+$0x10]  }
0xa2: {  	v15 =	vadd.s32 v3, v13;
	[tilespmem:v20+s19+$0x0] =	vst.idx.msk $0xffff, v19;
	v10 =	vld [tilespmem:s26+$0x30]  }
0xa3: {  	s24 =	sor.u32 $0x1, s24;
	v12 =	vadd.s32 v2, v8;
	[tilespmem:v23+s19+$0x0] =	vst.idx.msk $0xffff, v21;
	v9 =	vld [tilespmem:s25+$0x60]  }
0xa4: {  	s30 =	simm.s32 $0xB;
	s29 =	simm.s32 $0xC;
	s28 =	simm.s32 $0x8;
	v13 =	vadd.s32 v2, v4;
	[tilespmem:v25+s19+$0x0] =	vst.idx.msk $0xffff, v24;
	v11 =	vld [tilespmem:s25+$0xFFFFFFA0]  }
.LBB2_7:
0xa5: {  	p0 =	slt.u32 s29, $0xFC;
	v19 =	vmov s30;
	[tilespmem:v18+s19+$0x0] =	vst.idx.msk $0xffff, v17;
	v17 =	vld [tilespmem:s26+$0xFFFFFFB0];
	v18 =	vadd.s32 v3, v6;
	v6 =	vmov v4;
	s26 =	smov.u32 s25  }
0xa6: {  	v4 =	vmov s28;
	v21 =	vadd.s32 v2, v7;
	s25 =	sadd.s32 $0x100, s25;
	v19 =	vand.u32 $0xFF, v19;
	v20 =	vld [tilespmem:s26+$0xFFFFFFE0];
	[tilespmem:v16+s19+$0x0] =	vst.idx.msk $0xffff, v14  }
0xa7: {  	s30 =	sadd.s32 $0x1, s28;
	v4 =	vand.u32 $0xFC, v4;
	v14 =	vld [tilespmem:s25+$0x40];
	v16 =	vadd.s32 v0, v19;
	[tilespmem:v15+s19+$0x0] =	vst.idx.msk $0xffff, v10  }
0xa8: {  	v22 =	vmov s30;
	s30 =	sadd.s32 $0x2, s28;
	s28 =	smov.u32 s29;
	v15 =	vadd.s32 v0, v4;
	v10 =	vld [tilespmem:s25+$0xFFFFFF80];
	[tilespmem:v12+s19+$0x0] =	vst.idx.msk $0xffff, v9  }
0xa9: {  	v9 =	vand.u32 $0xFD, v22;
	v12 =	vmov s30;
	[tilespmem:v13+s19+$0x0] =	vst.idx.msk $0xffff, v11;
	v11 =	vld [tilespmem:s26+$0x70];
	v13 =	vadd.s32 v3, v8;
	v8 =	vmovc v19  }
0xaa: {  	v22 =	vadd.s32 v0, v9;
	v12 =	vand.u32 $0xFE, v12;
	v19 =	vld [tilespmem:s25+$0xFFFFFFC0];
	[tilespmem:v18+s19+$0x0] =	vst.idx.msk $0xffff, v17  }
0xab: {  	v24 =	vadd.s32 v0, v12;
	v23 =	vld [tilespmem:s25+$0x0];
	[tilespmem:v21+s19+$0x0] =	vst.idx.msk $0xffff, v20  }
0xac: {  	v21 =	vadd.s32 v2, v5;
	[tilespmem:v16+s19+$0x0] =	vst.idx.msk $0xffff, v14;
	v20 =	vld [tilespmem:s26+$0x20]  }
0xad: {  	[tilespmem:v15+s19+$0x0] =	vst.idx.msk $0xffff, v10;
	v10 =	vld [tilespmem:s25+$0x50];
	v15 =	vadd.s32 v1, v8  }
0xae: {  	v26 =	vadd.s32 v1, v4;
	v25 =	vld [tilespmem:s25+$0xFFFFFF90];
	[tilespmem:v13+s19+$0x0] =	vst.idx.msk $0xffff, v11  }
0xaf: {  	[tilespmem:v22+s19+$0x0] =	vst.idx.msk $0xffff, v19;
	v19 =	vld [tilespmem:s26+$0xFFFFFFF0];
	v22 =	vadd.s32 v3, v7;
	v7 =	vmov v9  }
.Ltmp4:
0xb0: {  	v17 =	vld [tilespmem:s25+$0xFFFFFFD0];
	v18 =	vadd.s32 v1, v7;
	[tilespmem:v24+s19+$0x0] =	vst.idx.msk $0xffff, v23;
	(pc) =	sbr.rel @p0 .LBB2_7-.Ltmp4, $4  }
0xb1: {  	v16 =	vadd.s32 v1, v12;
	v14 =	vld [tilespmem:s25+$0x10];
	[tilespmem:v21+s19+$0x0] =	vst.idx.msk $0xffff, v20  }
0xb2: {  	[tilespmem:v15+s19+$0x0] =	vst.idx.msk $0xffff, v10;
	v10 =	vld [tilespmem:s26+$0x30];
	v15 =	vadd.s32 v3, v5;
	v5 =	vmov v12  }
0xb3: {  	v12 =	vadd.s32 v2, v8;
	[tilespmem:v26+s19+$0x0] =	vst.idx.msk $0xffff, v25;
	v9 =	vld [tilespmem:s25+$0x60]  }
0xb4: {  	s29 =	sadd.s32 $0x4, s29;
	s30 =	sadd.s32 $0x3, s28;
	v13 =	vadd.s32 v2, v4;
	v11 =	vld [tilespmem:s25+$0xFFFFFFA0];
	[tilespmem:v22+s19+$0x0] =	vst.idx.msk $0xffff, v19  }
0xb5: {  	_ =	sdelay $0x2  }
0xb6: {  	v19 =	vmov s30  }
0xb7: {  	s29 =	sadd.s32 $0x1, s28;
	[tilespmem:v18+s19+$0x0] =	vst.idx.msk $0xffff, v17;
	v30 =	vld [tilespmem:s26+$0xFFFFFFB0];
	v6 =	vadd.s32 v3, v6;
	s30 =	sadd.s32 $0x100, s25;
	v21 =	vmov s28;
	v31 =	vand.u32 $0xFF, v19  }
0xb8: {  	s31 =	sadd.s32 $0x2, s28;
	v32 =	vmov s29;
	[tilespmem:v16+s19+$0x0] =	vst.idx.msk $0xffff, v14;
	v33 =	vld [tilespmem:s30+$0x40];
	v21 =	vand.u32 $0xFC, v21;
	v34 =	vadd.s32 v0, v31  }
0xb9: {  	v20 =	vmov s31;
	v22 =	vld [tilespmem:s30+$0xFFFFFF80];
	v19 =	vand.u32 $0xFD, v32;
	[tilespmem:v15+s19+$0x0] =	vst.idx.msk $0xffff, v10;
	v39 =	vadd.s32 v0, v21  }
0xba: {  	v35 =	vld [tilespmem:s30+$0xFFFFFFC0];
	v20 =	vand.u32 $0xFE, v20;
	v36 =	vadd.s32 v0, v19;
	[tilespmem:v12+s19+$0x0] =	vst.idx.msk $0xffff, v9  }
0xbb: {  	v37 =	vld [tilespmem:s30+$0x0];
	v38 =	vadd.s32 v0, v20;
	[tilespmem:v13+s19+$0x0] =	vst.idx.msk $0xffff, v11  }
0xbc: {  	v41 =	vadd.s32 v2, v7;
	v40 =	vld [tilespmem:s25+$0xFFFFFFE0];
	[tilespmem:v6+s19+$0x0] =	vst.idx.msk $0xffff, v30  }
0xbd: {  	v49 =	vadd.s32 v2, v5;
	v48 =	vld [tilespmem:s25+$0x20];
	[tilespmem:v34+s19+$0x0] =	vst.idx.msk $0xffff, v33  }
0xbe: {  	v43 =	vadd.s32 v1, v31;
	[tilespmem:v39+s19+$0x0] =	vst.idx.msk $0xffff, v22;
	v14 =	vld [tilespmem:s30+$0x50]  }
0xbf: {  	v47 =	vadd.s32 v1, v21;
	[tilespmem:v36+s19+$0x0] =	vst.idx.msk $0xffff, v35;
	v46 =	vld [tilespmem:s30+$0xFFFFFF90]  }
0xc0: {  	v44 =	vadd.s32 v1, v19;
	[tilespmem:v38+s19+$0x0] =	vst.idx.msk $0xffff, v37;
	v10 =	vld [tilespmem:s30+$0xFFFFFFD0]  }
0xc1: {  	v45 =	vadd.s32 v1, v20;
	[tilespmem:v41+s19+$0x0] =	vst.idx.msk $0xffff, v40;
	v9 =	vld [tilespmem:s30+$0x10]  }
0xc2: {  	v8 =	vadd.s32 v3, v8;
	v42 =	vld [tilespmem:s25+$0x70];
	[tilespmem:v49+s19+$0x0] =	vst.idx.msk $0xffff, v48  }
0xc3: {  	v5 =	vadd.s32 v3, v5;
	v13 =	vld [tilespmem:s25+$0x30];
	[tilespmem:v43+s19+$0x0] =	vst.idx.msk $0xffff, v14  }
0xc4: {  	v52 =	vadd.s32 v2, v31;
	[tilespmem:v47+s19+$0x0] =	vst.idx.msk $0xffff, v46;
	v14 =	vld [tilespmem:s30+$0x60]  }
0xc5: {  	v57 =	vadd.s32 v2, v21;
	[tilespmem:v44+s19+$0x0] =	vst.idx.msk $0xffff, v10;
	v56 =	vld [tilespmem:s30+$0xFFFFFFA0]  }
0xc6: {  	v53 =	vadd.s32 v2, v19;
	[tilespmem:v45+s19+$0x0] =	vst.idx.msk $0xffff, v9;
	v10 =	vld [tilespmem:s30+$0xFFFFFFE0]  }
0xc7: {  	v55 =	vadd.s32 v2, v20;
	[tilespmem:v8+s19+$0x0] =	vst.idx.msk $0xffff, v42;
	v54 =	vld [tilespmem:s30+$0x20]  }
0xc8: {  	v4 =	vadd.s32 v3, v4;
	v58 =	vld [tilespmem:s25+$0xFFFFFFB0];
	[tilespmem:v5+s19+$0x0] =	vst.idx.msk $0xffff, v13  }
0xc9: {  	v51 =	vadd.s32 v3, v7;
	v50 =	vld [tilespmem:s25+$0xFFFFFFF0];
	[tilespmem:v52+s19+$0x0] =	vst.idx.msk $0xffff, v14  }
0xca: {  	v60 =	vadd.s32 v3, v31;
	[tilespmem:v57+s19+$0x0] =	vst.idx.msk $0xffff, v56;
	v59 =	vld [tilespmem:s30+$0x70]  }
0xcb: {  	v63 =	vadd.s32 v3, v21;
	[tilespmem:v53+s19+$0x0] =	vst.idx.msk $0xffff, v10;
	v5 =	vld [tilespmem:s30+$0xFFFFFFB0]  }
0xcc: {  	v61 =	vadd.s32 v3, v19;
	[tilespmem:v55+s19+$0x0] =	vst.idx.msk $0xffff, v54;
	v10 =	vld [tilespmem:s30+$0xFFFFFFF0]  }
0xcd: {  	v62 =	vadd.s32 v3, v20;
	[tilespmem:v4+s19+$0x0] =	vst.idx.msk $0xffff, v58;
	v6 =	vld [tilespmem:s30+$0x30]  }
0xce: {  	s24 =	sadd.s32 s6, s24;
	[tilespmem:v51+s19+$0x0] =	vst.idx.msk $0xffff, v50  }
0xcf: {  	s30 =	sshll.u32 s24, $0x5;
	[tilespmem:v60+s19+$0x0] =	vst.idx.msk $0xffff, v59  }
0xd0: {  	s24 =	sshll.u32 s24, $0xB;
	s25 =	sand.u32 $0x7E0, s30;
	[tilespmem:v63+s19+$0x0] =	vst.idx.msk $0xffff, v5  }
0xd1: {  	s24 =	sand.u32 $0xFFE0000, s24;
	s25 =	sadd.s32 s4, s25;
	[tilespmem:v61+s19+$0x0] =	vst.idx.msk $0xffff, v10  }
0xd2: {  	s31 =	simm.s32 $0x12600;
	s24 =	sadd.s32 s24, s25;
	s25 =	simm.s32 $0x420;
	[tilespmem:v62+s19+$0x0] =	vst.idx.msk $0xffff, v6  }
0xd3: {  	[hbm4b:s24+s2] =	stream.linear.scatter [tilespmem:s31], [sflag:$0x4], $0x100, $0x38;
	[tilespmem:$0x16800] =	vst v63  }
.LBB2_9:
0xd4: {  	p0 =	sne.s32 s25, $0x103E0  }
.Ltmp5:
0xd5: {  	_ = 	snop;
	(pc) =	sbr.rel @p0 .LBB2_9-.Ltmp5, $4  }
0xd6: {  	_ = 	snop  }
0xd7: {  	s26 =	sshra.s32 s25, $0x2;
	s25 =	sadd.s32 $0x420, s25  }
0xd8: {  	s24 =	sadd.s32 $0x800, s24;
	s26 =	sadd.s32 $0x12600, s26  }
0xd9: {  	[hbm4b:s24+s2] =	stream.linear.scatter [tilespmem:s26], [sflag:$0x4], $0x100, $0x38;
	[tilespmem:$0x16800] =	vst v63  }
.Ltmp6:
0xda: {  	(pc) =	sbr.rel @p1 .LBB2_12-.Ltmp6, $1  }
0xdb: {  	_ =	sdelay $0x3  }
0xdc: {  	s24 =	sshll.u32 s23, $0x9  }
.Ltmp7:
0xdd: {  	s24 =	sand.u32 $0x3FFFFE00, s24;
	(pc) =	sbr.rel .LBB2_2-.Ltmp7, $4  }
0xde: {  	s25 =	sadd.s32 $0x300, s24  }
0xdf: {  	[tilespmem:s13], [sflag:$0x2] =	stream.indirect.gather [hbm4b:s3+s9], $0x40, s25, s9, $0xb8;
	[tilespmem:$0x16800] =	vst v63  }
0xe0: {  	s23 =	sadd.s32 $0x1, s23;
	s24 =	sadd.s32 $0x380, s24  }
0xe1: {  	[tilespmem:s15], [sflag:$0x2] =	stream.indirect.gather [hbm4b:s3+s9], $0x40, s24, s9, $0xb8;
	[tilespmem:$0x16800] =	vst v63  }
.LBB2_13:
0xe2: {  	_ =	sfence.sel $0x180000  }
0xe3: {  	[bflag:$0x0] =	sbarrier.arrive $0xFFFF  }
0xe4: {  	p0 =	sne.s32 s1, $0x0;
	_ =	strace $0x90000047  }
0xe5: {  	s0 =	sadd.s32 @!p0 $0x100000, s0;
	[bflag:$0x2] =	sbarrier.arrive $0xFFFF  }
0xe6: {  	[sflag:s0] =	ssyncadd.tile.s32 @!p0 $0x1;
	_ =	shalt  }
.Lfunc_end2:
_tile_overlayer_lowered:
.L_overlay_start_2:
0xe7: {  	(tag) =	ssettag $0x2  }
0xe8: {  	s0 =	rddreg [dreg:$0x0];
	s2 =	stileid.u32  }
0xe9: {  	s1 =	rddreg [dreg:$0x1];
	p0 =	sne.s32 s2, $0x0  }
0xea: {  	s3 =	rddreg [dreg:$0x2];
	[bflag:$0x3] =	sbarrier.arrive $0xFFFF;
	s2 =	simm.s32 @!p0 $0x1C05  }
0xeb: {  	[timem:s3], [sflag:s2] =	dma.local @!p0 [hbm:s0], s1  }
0xec: {  	s0 =	simm.s32 @!p0 $0x5  }
0xed: {  	_ =	swait.ge @!p0 [sflag:s0], s1  }
0xee: {  	s1 =	ssub.s32 @!p0 $0x0, s1;
	[sflag:s0] =	ssyncset.done @!p0 $0x0  }
0xef: {  	[sflag:s0] =	ssyncadd.s32 @!p0 s1  }
0xf0: {  	[bflag:$0x3] =	sbarrier.arrive $0xFFFF  }
0xf1: {  	_ =	shalt  }

</sc_bundles>
